<compile_context>
chip_gen: v7x
topology: tpu7x:2x2x1
jax: 0.10.2.dev20260603
libtpu: 0.0.44.dev20260713+nightly
codegen_flags: <defaults>
</compile_context>

<pallas_src>
import functools

import jax
import jax.numpy as jnp
from jax import lax
from jax.experimental import pallas as pl
from jax.experimental.pallas import tpu as pltpu
from jax.experimental.pallas import tpu_sc as plsc

N = 10000
NP = 10240
E = 320000
D = 128
NC = 2
NS = 16
NW = NC * NS
E_PER_W = E // NW
B = 64
NCHF = E_PER_W // B
TAIL = E_PER_W - NCHF * B
NSLOT = 4
NTRIP = NCHF // NSLOT
DB = 128
DSLOT = 2
DNCHF = E_PER_W // DB
DTAIL = E_PER_W - DNCHF * DB
DNTRIP = DNCHF // DSLOT
ROWS_PER_S = NP // NS

_MESH = plsc.VectorSubcoreMesh(core_axis_name="c", subcore_axis_name="s")


@functools.partial(
    pl.kernel,
    mesh=_MESH,
    out_type=jax.ShapeDtypeStruct((NC, 1, NP), jnp.float32),
    scratch_types=[
        [pltpu.VMEM((DB,), jnp.int32) for _ in range(DSLOT)],
        pltpu.VMEM((DTAIL,), jnp.int32),
        pltpu.VMEM((DB,), jnp.float32),
        pltpu.MemorySpace.VMEM_SHARED((NP,), jnp.float32),
        [pltpu.SemaphoreType.DMA for _ in range(DSLOT)],
        [pltpu.SemaphoreType.DMA for _ in range(DSLOT)],
    ],
)
def _deg_kernel(dst_hbm, zeros_hbm, ones_hbm, out_hbm, dbufs, dtail,
                ones_buf, acc, isems, ssems):
    c = lax.axis_index("c")
    s = lax.axis_index("s")
    w = c * NS + s
    base = w * E_PER_W

    pltpu.sync_copy(ones_hbm, ones_buf)
    n0 = s * ROWS_PER_S
    pltpu.sync_copy(zeros_hbm.at[0, pl.ds(n0, ROWS_PER_S)],
                    acc.at[pl.ds(n0, ROWS_PER_S)])
    plsc.subcore_barrier()

    def trip(t, _):
        j = t * DSLOT
        ds_ = []
        for bslot in range(DSLOT):
            @pl.when(t > 0)
            def _drain(bslot=bslot):
                pltpu.make_async_copy(ones_buf, acc.at[dbufs[bslot]],
                                      ssems[bslot]).wait()
            ds_.append(pltpu.async_copy(
                dst_hbm.at[pl.ds(base + (j + bslot) * DB, DB)],
                dbufs[bslot], isems[bslot]))
        for bslot in range(DSLOT):
            ds_[bslot].wait()
            pltpu.async_copy(ones_buf, acc.at[dbufs[bslot]], ssems[bslot],
                             add=True)
        return 0

    lax.fori_loop(0, DNTRIP, trip, 0)
    for bslot in range(DSLOT):
        pltpu.make_async_copy(ones_buf, acc.at[dbufs[bslot]],
                              ssems[bslot]).wait()
    if DTAIL:
        pltpu.sync_copy(dst_hbm.at[pl.ds(base + DNCHF * DB, DTAIL)], dtail)
        pltpu.sync_copy(ones_buf.at[pl.ds(0, DTAIL)],
                        acc.at[dtail], add=True)
    plsc.subcore_barrier()
    pltpu.sync_copy(acc.at[pl.ds(n0, ROWS_PER_S)],
                    out_hbm.at[c, 0, pl.ds(n0, ROWS_PER_S)])


@functools.partial(
    pl.kernel,
    mesh=_MESH,
    out_type=jax.ShapeDtypeStruct((NC, NP, D), jnp.float32),
    scratch_types=[
        pltpu.VMEM((E_PER_W,), jnp.int32),
        [pltpu.VMEM((B,), jnp.int32) for _ in range(NSLOT)],
        pltpu.VMEM((TAIL,), jnp.int32),
        [pltpu.VMEM((B, D), jnp.float32) for _ in range(NSLOT)],
        pltpu.VMEM((TAIL, D), jnp.float32),
        pltpu.MemorySpace.VMEM_SHARED((NP, D), jnp.float32),
        [pltpu.SemaphoreType.DMA for _ in range(NSLOT)],
        [pltpu.SemaphoreType.DMA for _ in range(NSLOT)],
        [pltpu.SemaphoreType.DMA for _ in range(NSLOT)],
    ],
)
def _prop_kernel(x_hbm, src_hbm, dst_hbm, zeros_hbm, out_hbm,
                 sall, dbufs, dtail, rows, rtail, acc, gsems, ssems, isems):
    c = lax.axis_index("c")
    s = lax.axis_index("s")
    w = c * NS + s
    r0 = s * ROWS_PER_S
    base = w * E_PER_W
    sidx_cp = pltpu.async_copy(src_hbm.at[pl.ds(base, E_PER_W)], sall,
                               gsems[0])
    pltpu.sync_copy(zeros_hbm.at[pl.ds(r0, ROWS_PER_S)],
                    acc.at[pl.ds(r0, ROWS_PER_S)])
    sidx_cp.wait()
    plsc.subcore_barrier()

    def trip(t, _):
        j = t * NSLOT
        ds_ = []
        gs_ = []
        for bslot in range(NSLOT):
            @pl.when(t > 0)
            def _drain(bslot=bslot):
                pltpu.make_async_copy(rows[bslot], acc.at[dbufs[bslot]],
                                      ssems[bslot]).wait()
            ds_.append(pltpu.async_copy(
                dst_hbm.at[pl.ds(base + (j + bslot) * B, B)],
                dbufs[bslot], isems[bslot]))
            gs_.append(pltpu.async_copy(
                x_hbm.at[sall.at[pl.ds((j + bslot) * B, B)]],
                rows[bslot], gsems[bslot]))
        for bslot in range(NSLOT):
            ds_[bslot].wait()
            gs_[bslot].wait()
            pltpu.async_copy(rows[bslot], acc.at[dbufs[bslot]],
                             ssems[bslot], add=True)
        return 0

    lax.fori_loop(0, NTRIP, trip, 0)
    for bslot in range(NSLOT):
        pltpu.make_async_copy(rows[bslot], acc.at[dbufs[bslot]],
                              ssems[bslot]).wait()
    if TAIL:
        pltpu.sync_copy(dst_hbm.at[pl.ds(base + NCHF * B, TAIL)], dtail)
        pltpu.async_copy(
            x_hbm.at[sall.at[pl.ds(NCHF * B, TAIL)]],
            rtail, gsems[0]).wait()
        pltpu.sync_copy(rtail, acc.at[dtail], add=True)
    plsc.subcore_barrier()
    pltpu.sync_copy(acc.at[pl.ds(r0, ROWS_PER_S)],
                    out_hbm.at[c, pl.ds(r0, ROWS_PER_S)])


ROW_BLK = 5000


def _t1_body(d_ref, f_ref, x1_ref):
    nrm = lax.rsqrt(jnp.maximum(d_ref[0] + d_ref[1], 1.0))
    x1_ref[...] = f_ref[...] * nrm


def _t2_body(d_ref, y_ref, f_ref, w0_ref, w1_ref, w2_ref, b_ref,
             x2_ref, r1_ref):
    nrm = lax.rsqrt(jnp.maximum(d_ref[0] + d_ref[1], 1.0))
    ys = y_ref[0] + y_ref[1]
    tx1 = -(ys * nrm)
    x2_ref[...] = tx1 * nrm
    a = w0_ref[...] - w2_ref[...]
    r1_ref[...] = (jnp.dot(f_ref[...], a, preferred_element_type=jnp.float32)
                   + jnp.dot(tx1, w1_ref[...],
                             preferred_element_type=jnp.float32)
                   + b_ref[...])


def _t3_body(d_ref, y_ref, r1_ref, w2_ref, out_ref):
    nrm = lax.rsqrt(jnp.maximum(d_ref[0] + d_ref[1], 1.0))
    h2 = (y_ref[0] + y_ref[1]) * nrm
    out_ref[...] = r1_ref[...] - 2.0 * jnp.dot(
        h2, w2_ref[...], preferred_element_type=jnp.float32)


_GRID = N // ROW_BLK
_deg_spec = pl.BlockSpec((NC, ROW_BLK, 1), lambda i: (0, i, 0))
_rows_spec = pl.BlockSpec((ROW_BLK, D), lambda i: (i, 0))
_y_spec = pl.BlockSpec((NC, ROW_BLK, D), lambda i: (0, i, 0))
_w_spec = pl.BlockSpec((D, D), lambda i: (0, 0))
_b_spec = pl.BlockSpec((1, D), lambda i: (0, 0))

_t1_call = pl.pallas_call(
    _t1_body,
    grid=(_GRID,),
    in_specs=[_deg_spec, _rows_spec],
    out_specs=_rows_spec,
    out_shape=jax.ShapeDtypeStruct((N, D), jnp.float32),
)

_t2_call = pl.pallas_call(
    _t2_body,
    grid=(_GRID,),
    in_specs=[_deg_spec, _y_spec, _rows_spec, _w_spec, _w_spec, _w_spec,
              _b_spec],
    out_specs=[_rows_spec, _rows_spec],
    out_shape=[jax.ShapeDtypeStruct((N, D), jnp.float32),
               jax.ShapeDtypeStruct((N, D), jnp.float32)],
)

_t3_call = pl.pallas_call(
    _t3_body,
    grid=(_GRID,),
    in_specs=[_deg_spec, _y_spec, _rows_spec, _w_spec],
    out_specs=_rows_spec,
    out_shape=jax.ShapeDtypeStruct((N, D), jnp.float32),
)


def kernel(feat, edge_index, W0, W1, W2, b):
    src = edge_index[0].astype(jnp.int32)
    dst = edge_index[1].astype(jnp.int32)
    zerosd = jnp.zeros((NP, D), jnp.float32)
    zeros1 = jnp.zeros((1, NP), jnp.float32)
    ones1 = jnp.ones((DB,), jnp.float32)
    b2 = b.reshape(1, D)

    degw = _deg_kernel(dst, zeros1, ones1).reshape(NC, NP, 1)
    x1 = _t1_call(degw, feat)
    y1 = _prop_kernel(x1, src, dst, zerosd)
    x2, r1 = _t2_call(degw, y1, feat, W0, W1, W2, b2)
    y2 = _prop_kernel(x2, src, dst, zerosd)
    return _t3_call(degw, y2, r1, W2)

# --- scband reference (transcript-rebuilt; emitter-appended) ---
"""Pipeline reference for scband-cheb-conv-48473000903659 (READ-ONLY COPY).

The authoritative reference and input builder live on the scoring server;
editing this copy changes nothing except your own understanding.
"""

import jax, jax.numpy as jnp
import numpy as np

N_NODES = 10000
N_EDGES = 320000
D_IN = 128
D_OUT = 128
LAMBDA_MAX = 2.0  # standard default for normalized Laplacian; passed as lambda_max in torch


def setup_inputs(seed: int = 0) -> dict:
    key = jax.random.key(seed)
    k_feat, k_ei, k_w0, k_w1, k_w2 = jax.random.split(key, 5)
    feat = jax.random.normal(k_feat, (N_NODES, D_IN), dtype=jnp.float32)
    edge_index = jax.random.randint(k_ei, (2, N_EDGES), 0, N_NODES, dtype=jnp.int64)
    # xavier-normal-ish init for the K=3 linear weights (stored [in, out]; y = x @ W)
    scale = np.sqrt(2.0 / (D_IN + D_OUT)) * np.sqrt(2.0)
    W0 = jax.random.normal(k_w0, (D_IN, D_OUT), dtype=jnp.float32) * scale
    W1 = jax.random.normal(k_w1, (D_IN, D_OUT), dtype=jnp.float32) * scale
    W2 = jax.random.normal(k_w2, (D_IN, D_OUT), dtype=jnp.float32) * scale
    b = jnp.zeros((D_OUT,), dtype=jnp.float32)
    return {"feat": feat, "edge_index": edge_index, "W0": W0, "W1": W1, "W2": W2, "b": b}


def reference(feat, edge_index, W0, W1, W2, b):
    N = feat.shape[0]
    src = edge_index[0]
    dst = edge_index[1]
    # in-degrees (messages aggregated at dst)
    deg = jax.ops.segment_sum(jnp.ones((src.shape[0],), dtype=jnp.float32), dst, num_segments=N)
    norm = jnp.power(jnp.clip(deg, 1.0, None), -0.5)[:, None]
    lmax = LAMBDA_MAX
    # Chebyshev recursion (k = 3)
    Tx_0 = feat
    rst = Tx_0 @ W0
    # k = 1
    h = jax.ops.segment_sum((Tx_0 * norm)[src], dst, num_segments=N) * norm
    Tx_1 = -2.0 * h / lmax + Tx_0 * (2.0 / lmax - 1.0)
    rst = rst + Tx_1 @ W1
    # k = 2
    h = jax.ops.segment_sum((Tx_1 * norm)[src], dst, num_segments=N) * norm
    Tx_2 = -4.0 * h / lmax + Tx_1 * (4.0 / lmax - 2.0) - Tx_0
    rst = rst + Tx_2 @ W2
    rst = rst + b
    return rst

if __name__ == "__main__":
    import jax
    _d = setup_inputs()
    print(jax.jit(kernel)(*tuple(_d.values())))

</pallas_src>

<mosaic_0001>
#map = affine_map<(d0, d1) -> (0)>
#map1 = affine_map<(d0, d1) -> (0, 0)>
#map2 = affine_map<(d0, d1) -> (0, 0, 0)>
module attributes {stable_mosaic.version = 14 : i64} {
  func.func @_deg_kernel(%arg0: i32, %arg1: i32, %arg2: memref<320000xi32, #tpu.memory_space<hbm>>, %arg3: memref<1x10240xf32, #tpu.memory_space<hbm>>, %arg4: memref<128xf32, #tpu.memory_space<hbm>>, %arg5: memref<2x1x10240xf32, #tpu.memory_space<hbm>>, %arg6: memref<128xi32, #tpu.memory_space<vmem>>, %arg7: memref<128xi32, #tpu.memory_space<vmem>>, %arg8: memref<16xi32, #tpu.memory_space<vmem>>, %arg9: memref<128xf32, #tpu.memory_space<vmem>>, %arg10: memref<10240xf32, #tpu.memory_space<vmem_shared>>, %arg11: memref<!tpu.dma_semaphore, #tpu.memory_space<semaphore_mem>>, %arg12: memref<!tpu.dma_semaphore, #tpu.memory_space<semaphore_mem>>, %arg13: memref<!tpu.dma_semaphore, #tpu.memory_space<semaphore_mem>>, %arg14: memref<!tpu.dma_semaphore, #tpu.memory_space<semaphore_mem>>) attributes {dimension_semantics = [#tpu.dimension_semantics<core_parallel>, #tpu.dimension_semantics<subcore_parallel>], iteration_bounds = array<i64: 2, 16>, scalar_prefetch = 0 : i64, scratch_operands = 9 : i64, tpu.core_type = #tpu.core_type<sc_vector_subcore>, window_params = [{transform_indices = #map}, {transform_indices = #map1}, {transform_indices = #map}, {transform_indices = #map2}]} {
    %mul3A = arith.constant 16 : i32
    %mul3A_0 = arith.muli %arg0, %mul3A : i32
    %add3A = arith.addi %mul3A_0, %arg1 : i32
    %mul3A_1 = arith.constant 10000 : i32
    %mul3A_2 = arith.muli %add3A, %mul3A_1 : i32
    "tpu.region"() ({
      %run_scoped3A_18 = tpu.sem_alloc : memref<!tpu.dma_semaphore, #tpu.memory_space<semaphore_mem>>
      tpu.enqueue_dma source(%arg4 : memref<128xf32, #tpu.memory_space<hbm>>) target(%arg9 : memref<128xf32, #tpu.memory_space<vmem>>) target_semaphore(%run_scoped3A_18 : memref<!tpu.dma_semaphore, #tpu.memory_space<semaphore_mem>>)
      tpu.wait_dma2 semaphore(%run_scoped3A_18 : memref<!tpu.dma_semaphore, #tpu.memory_space<semaphore_mem>>) src(%arg4 : memref<128xf32, #tpu.memory_space<hbm>>) dst(%arg9 : memref<128xf32, #tpu.memory_space<vmem>>)
      tpu.yield
    }) : () -> ()
    %mul3A_3 = arith.constant 640 : i32
    %mul3A_4 = arith.muli %arg1, %mul3A_3 : i32
    %run_scoped3A = arith.constant 0 : i32
    "tpu.region"() ({
      %run_scoped3A_18 = tpu.sem_alloc : memref<!tpu.dma_semaphore, #tpu.memory_space<semaphore_mem>>
      %dma_start3A = tpu.memref_slice %arg10[%mul3A_4] : memref<10240xf32, #tpu.memory_space<vmem_shared>> -> memref<640xf32, #tpu.memory_space<vmem_shared>>
      %dma_start3A_19 = tpu.memref_slice %arg3[%run_scoped3A, %mul3A_4] : memref<1x10240xf32, #tpu.memory_space<hbm>> -> memref<1x640xf32, #tpu.memory_space<hbm>>
      %dma_start3A_20 = tpu.memref_squeeze %dma_start3A_19 : memref<1x640xf32, #tpu.memory_space<hbm>> -> memref<640xf32, #tpu.memory_space<hbm>>
      tpu.enqueue_dma source(%dma_start3A_20 : memref<640xf32, #tpu.memory_space<hbm>>) target(%dma_start3A : memref<640xf32, #tpu.memory_space<vmem_shared>>) target_semaphore(%run_scoped3A_18 : memref<!tpu.dma_semaphore, #tpu.memory_space<semaphore_mem>>)
      %dma_wait3A_21 = tpu.memref_slice %arg10[%mul3A_4] : memref<10240xf32, #tpu.memory_space<vmem_shared>> -> memref<640xf32, #tpu.memory_space<vmem_shared>>
      %dma_wait3A_22 = tpu.memref_slice %arg3[%run_scoped3A, %mul3A_4] : memref<1x10240xf32, #tpu.memory_space<hbm>> -> memref<1x640xf32, #tpu.memory_space<hbm>>
      %dma_wait3A_23 = tpu.memref_squeeze %dma_wait3A_22 : memref<1x640xf32, #tpu.memory_space<hbm>> -> memref<640xf32, #tpu.memory_space<hbm>>
      tpu.wait_dma2 semaphore(%run_scoped3A_18 : memref<!tpu.dma_semaphore, #tpu.memory_space<semaphore_mem>>) src(%dma_wait3A_23 : memref<640xf32, #tpu.memory_space<hbm>>) dst(%dma_wait3A_21 : memref<640xf32, #tpu.memory_space<vmem_shared>>)
      tpu.yield
    }) : () -> ()
    %barrier3A = arith.constant 0 : index
    tpu.barrier barrier_id(%barrier3A)
    %scan3A = arith.constant 0 : i32
    %scan3A_5 = arith.constant 0 : i32
    %scan3A_6 = arith.constant 39 : i32
    %scan3A_7 = arith.addi %scan3A_5, %scan3A_6 : i32
    %scan3A_8 = arith.constant 1 : i32
    %scan3A_9 = scf.for %scan3A_18 = %scan3A_5 to %scan3A_7 step %scan3A_8 iter_args(%scan3A_19 = %scan3A) -> (i32)  : i32 {
      %mul3A_20 = arith.constant 2 : i32
      %mul3A_21 = arith.muli %scan3A_18, %mul3A_20 : i32
      %gt3A = arith.constant 0 : i32
      %gt3A_22 = arith.cmpi sgt, %scan3A_18, %gt3A : i32
      %convert_element_type3A = arith.extui %gt3A_22 : i1 to i32
      %cond3A = arith.constant 0 : i32
      %cond3A_23 = arith.cmpi ne, %convert_element_type3A, %cond3A : i32
      scf.if %cond3A_23 {
        %dma_wait3A_51 = arith.constant 0 : i32
        %dma_wait3A_52 = tpu.memref_slice %arg10[%dma_wait3A_51] : memref<10240xf32, #tpu.memory_space<vmem_shared>> -> memref<10240xf32, #tpu.memory_space<vmem_shared>>
        tpu.wait_indirect_dma semaphore(%arg13 : memref<!tpu.dma_semaphore, #tpu.memory_space<semaphore_mem>>) src(%arg9 : memref<128xf32, #tpu.memory_space<vmem>>) dst(%dma_wait3A_52 : memref<10240xf32, #tpu.memory_space<vmem_shared>>)
      } else {
      }
      %add3A_24 = arith.constant 0 : i32
      %add3A_25 = arith.addi %mul3A_21, %add3A_24 : i32
      %mul3A_26 = arith.constant 128 : i32
      %mul3A_27 = arith.muli %add3A_25, %mul3A_26 : i32
      %add3A_28 = arith.addi %mul3A_2, %mul3A_27 : i32
      %dma_start3A = tpu.memref_slice %arg2[%add3A_28] : memref<320000xi32, #tpu.memory_space<hbm>> -> memref<128xi32, #tpu.memory_space<hbm>>
      %dma_start3A_29 = tpu.memref_slice %arg2[%add3A_28] : memref<320000xi32, #tpu.memory_space<hbm>> -> memref<128xi32, #tpu.memory_space<hbm>>
      tpu.enqueue_dma source(%dma_start3A_29 : memref<128xi32, #tpu.memory_space<hbm>>) target(%arg6 : memref<128xi32, #tpu.memory_space<vmem>>) target_semaphore(%arg11 : memref<!tpu.dma_semaphore, #tpu.memory_space<semaphore_mem>>)
      %gt3A_30 = arith.constant 0 : i32
      %gt3A_31 = arith.cmpi sgt, %scan3A_18, %gt3A_30 : i32
      %convert_element_type3A_32 = arith.extui %gt3A_31 : i1 to i32
      %cond3A_33 = arith.constant 0 : i32
      %cond3A_34 = arith.cmpi ne, %convert_element_type3A_32, %cond3A_33 : i32
      scf.if %cond3A_34 {
        %dma_wait3A_51 = arith.constant 0 : i32
        %dma_wait3A_52 = tpu.memref_slice %arg10[%dma_wait3A_51] : memref<10240xf32, #tpu.memory_space<vmem_shared>> -> memref<10240xf32, #tpu.memory_space<vmem_shared>>
        tpu.wait_indirect_dma semaphore(%arg14 : memref<!tpu.dma_semaphore, #tpu.memory_space<semaphore_mem>>) src(%arg9 : memref<128xf32, #tpu.memory_space<vmem>>) dst(%dma_wait3A_52 : memref<10240xf32, #tpu.memory_space<vmem_shared>>)
      } else {
      }
      %add3A_35 = arith.constant 1 : i32
      %add3A_36 = arith.addi %mul3A_21, %add3A_35 : i32
      %mul3A_37 = arith.constant 128 : i32
      %mul3A_38 = arith.muli %add3A_36, %mul3A_37 : i32
      %add3A_39 = arith.addi %mul3A_2, %mul3A_38 : i32
      %dma_start3A_40 = tpu.memref_slice %arg2[%add3A_39] : memref<320000xi32, #tpu.memory_space<hbm>> -> memref<128xi32, #tpu.memory_space<hbm>>
      %dma_start3A_41 = tpu.memref_slice %arg2[%add3A_39] : memref<320000xi32, #tpu.memory_space<hbm>> -> memref<128xi32, #tpu.memory_space<hbm>>
      tpu.enqueue_dma source(%dma_start3A_41 : memref<128xi32, #tpu.memory_space<hbm>>) target(%arg7 : memref<128xi32, #tpu.memory_space<vmem>>) target_semaphore(%arg12 : memref<!tpu.dma_semaphore, #tpu.memory_space<semaphore_mem>>)
      %dma_wait3A_42 = tpu.memref_slice %arg2[%add3A_28] : memref<320000xi32, #tpu.memory_space<hbm>> -> memref<128xi32, #tpu.memory_space<hbm>>
      %dma_wait3A_43 = tpu.memref_slice %arg2[%add3A_28] : memref<320000xi32, #tpu.memory_space<hbm>> -> memref<128xi32, #tpu.memory_space<hbm>>
      tpu.wait_dma2 semaphore(%arg11 : memref<!tpu.dma_semaphore, #tpu.memory_space<semaphore_mem>>) src(%dma_wait3A_43 : memref<128xi32, #tpu.memory_space<hbm>>) dst(%arg6 : memref<128xi32, #tpu.memory_space<vmem>>)
      %dma_start3A_44 = arith.constant 0 : i32
      %dma_start3A_45 = tpu.memref_slice %arg10[%dma_start3A_44] : memref<10240xf32, #tpu.memory_space<vmem_shared>> -> memref<10240xf32, #tpu.memory_space<vmem_shared>>
      tpu.enqueue_indirect_dma source(%arg9 : memref<128xf32, #tpu.memory_space<vmem>>) target(%dma_start3A_45 : memref<10240xf32, #tpu.memory_space<vmem_shared>>) offsets(%arg6 : memref<128xi32, #tpu.memory_space<vmem>>) semaphore(%arg13 : memref<!tpu.dma_semaphore, #tpu.memory_space<semaphore_mem>>) {add = true}
      %dma_wait3A_46 = tpu.memref_slice %arg2[%add3A_39] : memref<320000xi32, #tpu.memory_space<hbm>> -> memref<128xi32, #tpu.memory_space<hbm>>
      %dma_wait3A_47 = tpu.memref_slice %arg2[%add3A_39] : memref<320000xi32, #tpu.memory_space<hbm>> -> memref<128xi32, #tpu.memory_space<hbm>>
      tpu.wait_dma2 semaphore(%arg12 : memref<!tpu.dma_semaphore, #tpu.memory_space<semaphore_mem>>) src(%dma_wait3A_47 : memref<128xi32, #tpu.memory_space<hbm>>) dst(%arg7 : memref<128xi32, #tpu.memory_space<vmem>>)
      %dma_start3A_48 = arith.constant 0 : i32
      %dma_start3A_49 = tpu.memref_slice %arg10[%dma_start3A_48] : memref<10240xf32, #tpu.memory_space<vmem_shared>> -> memref<10240xf32, #tpu.memory_space<vmem_shared>>
      tpu.enqueue_indirect_dma source(%arg9 : memref<128xf32, #tpu.memory_space<vmem>>) target(%dma_start3A_49 : memref<10240xf32, #tpu.memory_space<vmem_shared>>) offsets(%arg7 : memref<128xi32, #tpu.memory_space<vmem>>) semaphore(%arg14 : memref<!tpu.dma_semaphore, #tpu.memory_space<semaphore_mem>>) {add = true}
      %scan3A_50 = arith.constant 0 : i32
      scf.yield %scan3A_50 : i32
    }
    %scan3A_10 = arith.constant 39 : i32
    %dma_wait3A = arith.constant 0 : i32
    %dma_wait3A_11 = tpu.memref_slice %arg10[%dma_wait3A] : memref<10240xf32, #tpu.memory_space<vmem_shared>> -> memref<10240xf32, #tpu.memory_space<vmem_shared>>
    tpu.wait_indirect_dma semaphore(%arg13 : memref<!tpu.dma_semaphore, #tpu.memory_space<semaphore_mem>>) src(%arg9 : memref<128xf32, #tpu.memory_space<vmem>>) dst(%dma_wait3A_11 : memref<10240xf32, #tpu.memory_space<vmem_shared>>)
    %dma_wait3A_12 = arith.constant 0 : i32
    %dma_wait3A_13 = tpu.memref_slice %arg10[%dma_wait3A_12] : memref<10240xf32, #tpu.memory_space<vmem_shared>> -> memref<10240xf32, #tpu.memory_space<vmem_shared>>
    tpu.wait_indirect_dma semaphore(%arg14 : memref<!tpu.dma_semaphore, #tpu.memory_space<semaphore_mem>>) src(%arg9 : memref<128xf32, #tpu.memory_space<vmem>>) dst(%dma_wait3A_13 : memref<10240xf32, #tpu.memory_space<vmem_shared>>)
    %add3A_14 = arith.constant 9984 : i32
    %add3A_15 = arith.addi %mul3A_2, %add3A_14 : i32
    "tpu.region"() ({
      %run_scoped3A_18 = tpu.sem_alloc : memref<!tpu.dma_semaphore, #tpu.memory_space<semaphore_mem>>
      %dma_start3A = tpu.memref_slice %arg2[%add3A_15] : memref<320000xi32, #tpu.memory_space<hbm>> -> memref<16xi32, #tpu.memory_space<hbm>>
      %dma_start3A_19 = tpu.memref_slice %arg2[%add3A_15] : memref<320000xi32, #tpu.memory_space<hbm>> -> memref<16xi32, #tpu.memory_space<hbm>>
      tpu.enqueue_dma source(%dma_start3A_19 : memref<16xi32, #tpu.memory_space<hbm>>) target(%arg8 : memref<16xi32, #tpu.memory_space<vmem>>) target_semaphore(%run_scoped3A_18 : memref<!tpu.dma_semaphore, #tpu.memory_space<semaphore_mem>>)
      %dma_wait3A_20 = tpu.memref_slice %arg2[%add3A_15] : memref<320000xi32, #tpu.memory_space<hbm>> -> memref<16xi32, #tpu.memory_space<hbm>>
      %dma_wait3A_21 = tpu.memref_slice %arg2[%add3A_15] : memref<320000xi32, #tpu.memory_space<hbm>> -> memref<16xi32, #tpu.memory_space<hbm>>
      tpu.wait_dma2 semaphore(%run_scoped3A_18 : memref<!tpu.dma_semaphore, #tpu.memory_space<semaphore_mem>>) src(%dma_wait3A_21 : memref<16xi32, #tpu.memory_space<hbm>>) dst(%arg8 : memref<16xi32, #tpu.memory_space<vmem>>)
      tpu.yield
    }) : () -> ()
    "tpu.region"() ({
      %run_scoped3A_18 = tpu.sem_alloc : memref<!tpu.dma_semaphore, #tpu.memory_space<semaphore_mem>>
      %dma_start3A = arith.constant 0 : i32
      %dma_start3A_19 = tpu.memref_slice %arg9[%dma_start3A] : memref<128xf32, #tpu.memory_space<vmem>> -> memref<16xf32, #tpu.memory_space<vmem>>
      %dma_start3A_20 = arith.constant 0 : i32
      %dma_start3A_21 = tpu.memref_slice %arg10[%dma_start3A_20] : memref<10240xf32, #tpu.memory_space<vmem_shared>> -> memref<10240xf32, #tpu.memory_space<vmem_shared>>
      tpu.enqueue_indirect_dma source(%dma_start3A_19 : memref<16xf32, #tpu.memory_space<vmem>>) target(%dma_start3A_21 : memref<10240xf32, #tpu.memory_space<vmem_shared>>) offsets(%arg8 : memref<16xi32, #tpu.memory_space<vmem>>) semaphore(%run_scoped3A_18 : memref<!tpu.dma_semaphore, #tpu.memory_space<semaphore_mem>>) {add = true}
      %dma_wait3A_22 = arith.constant 0 : i32
      %dma_wait3A_23 = tpu.memref_slice %arg9[%dma_wait3A_22] : memref<128xf32, #tpu.memory_space<vmem>> -> memref<16xf32, #tpu.memory_space<vmem>>
      %dma_wait3A_24 = arith.constant 0 : i32
      %dma_wait3A_25 = tpu.memref_slice %arg10[%dma_wait3A_24] : memref<10240xf32, #tpu.memory_space<vmem_shared>> -> memref<10240xf32, #tpu.memory_space<vmem_shared>>
      tpu.wait_indirect_dma semaphore(%run_scoped3A_18 : memref<!tpu.dma_semaphore, #tpu.memory_space<semaphore_mem>>) src(%dma_wait3A_23 : memref<16xf32, #tpu.memory_space<vmem>>) dst(%dma_wait3A_25 : memref<10240xf32, #tpu.memory_space<vmem_shared>>)
      tpu.yield
    }) : () -> ()
    %barrier3A_16 = arith.constant 0 : index
    tpu.barrier barrier_id(%barrier3A_16)
    %run_scoped3A_17 = arith.constant 0 : i32
    "tpu.region"() ({
      %run_scoped3A_18 = tpu.sem_alloc : memref<!tpu.dma_semaphore, #tpu.memory_space<semaphore_mem>>
      %dma_start3A = tpu.memref_slice %arg5[%arg0, %run_scoped3A_17, %mul3A_4] : memref<2x1x10240xf32, #tpu.memory_space<hbm>> -> memref<1x1x640xf32, #tpu.memory_space<hbm>>
      %dma_start3A_19 = tpu.memref_squeeze %dma_start3A : memref<1x1x640xf32, #tpu.memory_space<hbm>> -> memref<640xf32, #tpu.memory_space<hbm>>
      %dma_start3A_20 = tpu.memref_slice %arg10[%mul3A_4] : memref<10240xf32, #tpu.memory_space<vmem_shared>> -> memref<640xf32, #tpu.memory_space<vmem_shared>>
      tpu.enqueue_dma source(%dma_start3A_20 : memref<640xf32, #tpu.memory_space<vmem_shared>>) target(%dma_start3A_19 : memref<640xf32, #tpu.memory_space<hbm>>) target_semaphore(%run_scoped3A_18 : memref<!tpu.dma_semaphore, #tpu.memory_space<semaphore_mem>>)
      %dma_wait3A_21 = tpu.memref_slice %arg5[%arg0, %run_scoped3A_17, %mul3A_4] : memref<2x1x10240xf32, #tpu.memory_space<hbm>> -> memref<1x1x640xf32, #tpu.memory_space<hbm>>
      %dma_wait3A_22 = tpu.memref_squeeze %dma_wait3A_21 : memref<1x1x640xf32, #tpu.memory_space<hbm>> -> memref<640xf32, #tpu.memory_space<hbm>>
      %dma_wait3A_23 = tpu.memref_slice %arg10[%mul3A_4] : memref<10240xf32, #tpu.memory_space<vmem_shared>> -> memref<640xf32, #tpu.memory_space<vmem_shared>>
      tpu.wait_dma2 semaphore(%run_scoped3A_18 : memref<!tpu.dma_semaphore, #tpu.memory_space<semaphore_mem>>) src(%dma_wait3A_23 : memref<640xf32, #tpu.memory_space<vmem_shared>>) dst(%dma_wait3A_22 : memref<640xf32, #tpu.memory_space<hbm>>)
      tpu.yield
    }) : () -> ()
    return
  }
}

#map = affine_map<(d0, d1) -> (0, 0)>
#map1 = affine_map<(d0, d1) -> (0)>
#map2 = affine_map<(d0, d1) -> (0, 0, 0)>
module attributes {stable_mosaic.version = 14 : i64} {
  func.func @_prop_kernel(%arg0: i32, %arg1: i32, %arg2: memref<10000x128xf32, #tpu.memory_space<hbm>>, %arg3: memref<320000xi32, #tpu.memory_space<hbm>>, %arg4: memref<320000xi32, #tpu.memory_space<hbm>>, %arg5: memref<10240x128xf32, #tpu.memory_space<hbm>>, %arg6: memref<2x10240x128xf32, #tpu.memory_space<hbm>>, %arg7: memref<10000xi32, #tpu.memory_space<vmem>>, %arg8: memref<64xi32, #tpu.memory_space<vmem>>, %arg9: memref<64xi32, #tpu.memory_space<vmem>>, %arg10: memref<64xi32, #tpu.memory_space<vmem>>, %arg11: memref<64xi32, #tpu.memory_space<vmem>>, %arg12: memref<16xi32, #tpu.memory_space<vmem>>, %arg13: memref<64x128xf32, #tpu.memory_space<vmem>>, %arg14: memref<64x128xf32, #tpu.memory_space<vmem>>, %arg15: memref<64x128xf32, #tpu.memory_space<vmem>>, %arg16: memref<64x128xf32, #tpu.memory_space<vmem>>, %arg17: memref<16x128xf32, #tpu.memory_space<vmem>>, %arg18: memref<10240x128xf32, #tpu.memory_space<vmem_shared>>, %arg19: memref<!tpu.dma_semaphore, #tpu.memory_space<semaphore_mem>>, %arg20: memref<!tpu.dma_semaphore, #tpu.memory_space<semaphore_mem>>, %arg21: memref<!tpu.dma_semaphore, #tpu.memory_space<semaphore_mem>>, %arg22: memref<!tpu.dma_semaphore, #tpu.memory_space<semaphore_mem>>, %arg23: memref<!tpu.dma_semaphore, #tpu.memory_space<semaphore_mem>>, %arg24: memref<!tpu.dma_semaphore, #tpu.memory_space<semaphore_mem>>, %arg25: memref<!tpu.dma_semaphore, #tpu.memory_space<semaphore_mem>>, %arg26: memref<!tpu.dma_semaphore, #tpu.memory_space<semaphore_mem>>, %arg27: memref<!tpu.dma_semaphore, #tpu.memory_space<semaphore_mem>>, %arg28: memref<!tpu.dma_semaphore, #tpu.memory_space<semaphore_mem>>, %arg29: memref<!tpu.dma_semaphore, #tpu.memory_space<semaphore_mem>>, %arg30: memref<!tpu.dma_semaphore, #tpu.memory_space<semaphore_mem>>) attributes {dimension_semantics = [#tpu.dimension_semantics<core_parallel>, #tpu.dimension_semantics<subcore_parallel>], iteration_bounds = array<i64: 2, 16>, scalar_prefetch = 0 : i64, scratch_operands = 24 : i64, tpu.core_type = #tpu.core_type<sc_vector_subcore>, window_params = [{transform_indices = #map}, {transform_indices = #map1}, {transform_indices = #map1}, {transform_indices = #map}, {transform_indices = #map2}]} {
    %mul3A = arith.constant 16 : i32
    %mul3A_0 = arith.muli %arg0, %mul3A : i32
    %add3A = arith.addi %mul3A_0, %arg1 : i32
    %mul3A_1 = arith.constant 640 : i32
    %mul3A_2 = arith.muli %arg1, %mul3A_1 : i32
    %mul3A_3 = arith.constant 10000 : i32
    %mul3A_4 = arith.muli %add3A, %mul3A_3 : i32
    %dma_start3A = tpu.memref_slice %arg3[%mul3A_4] : memref<320000xi32, #tpu.memory_space<hbm>> -> memref<10000xi32, #tpu.memory_space<hbm>>
    %dma_start3A_5 = tpu.memref_slice %arg3[%mul3A_4] : memref<320000xi32, #tpu.memory_space<hbm>> -> memref<10000xi32, #tpu.memory_space<hbm>>
    tpu.enqueue_dma source(%dma_start3A_5 : memref<10000xi32, #tpu.memory_space<hbm>>) target(%arg7 : memref<10000xi32, #tpu.memory_space<vmem>>) target_semaphore(%arg19 : memref<!tpu.dma_semaphore, #tpu.memory_space<semaphore_mem>>)
    "tpu.region"() ({
      %run_scoped3A = tpu.sem_alloc : memref<!tpu.dma_semaphore, #tpu.memory_space<semaphore_mem>>
      %dma_start3A_38 = arith.constant 0 : i32
      %dma_start3A_39 = tpu.memref_slice %arg18[%mul3A_2, %dma_start3A_38] : memref<10240x128xf32, #tpu.memory_space<vmem_shared>> -> memref<640x128xf32, #tpu.memory_space<vmem_shared>>
      %dma_start3A_40 = arith.constant 0 : i32
      %dma_start3A_41 = tpu.memref_slice %arg5[%mul3A_2, %dma_start3A_40] : memref<10240x128xf32, #tpu.memory_space<hbm>> -> memref<640x128xf32, #tpu.memory_space<hbm>>
      tpu.enqueue_dma source(%dma_start3A_41 : memref<640x128xf32, #tpu.memory_space<hbm>>) target(%dma_start3A_39 : memref<640x128xf32, #tpu.memory_space<vmem_shared>>) target_semaphore(%run_scoped3A : memref<!tpu.dma_semaphore, #tpu.memory_space<semaphore_mem>>)
      %dma_wait3A_42 = arith.constant 0 : i32
      %dma_wait3A_43 = tpu.memref_slice %arg18[%mul3A_2, %dma_wait3A_42] : memref<10240x128xf32, #tpu.memory_space<vmem_shared>> -> memref<640x128xf32, #tpu.memory_space<vmem_shared>>
      %dma_wait3A_44 = arith.constant 0 : i32
      %dma_wait3A_45 = tpu.memref_slice %arg5[%mul3A_2, %dma_wait3A_44] : memref<10240x128xf32, #tpu.memory_space<hbm>> -> memref<640x128xf32, #tpu.memory_space<hbm>>
      tpu.wait_dma2 semaphore(%run_scoped3A : memref<!tpu.dma_semaphore, #tpu.memory_space<semaphore_mem>>) src(%dma_wait3A_45 : memref<640x128xf32, #tpu.memory_space<hbm>>) dst(%dma_wait3A_43 : memref<640x128xf32, #tpu.memory_space<vmem_shared>>)
      tpu.yield
    }) : () -> ()
    %dma_wait3A = tpu.memref_slice %arg3[%mul3A_4] : memref<320000xi32, #tpu.memory_space<hbm>> -> memref<10000xi32, #tpu.memory_space<hbm>>
    %dma_wait3A_6 = tpu.memref_slice %arg3[%mul3A_4] : memref<320000xi32, #tpu.memory_space<hbm>> -> memref<10000xi32, #tpu.memory_space<hbm>>
    tpu.wait_dma2 semaphore(%arg19 : memref<!tpu.dma_semaphore, #tpu.memory_space<semaphore_mem>>) src(%dma_wait3A_6 : memref<10000xi32, #tpu.memory_space<hbm>>) dst(%arg7 : memref<10000xi32, #tpu.memory_space<vmem>>)
    %barrier3A = arith.constant 0 : index
    tpu.barrier barrier_id(%barrier3A)
    %scan3A = arith.constant 0 : i32
    %scan3A_7 = arith.constant 0 : i32
    %scan3A_8 = arith.constant 39 : i32
    %scan3A_9 = arith.addi %scan3A_7, %scan3A_8 : i32
    %scan3A_10 = arith.constant 1 : i32
    %scan3A_11 = scf.for %scan3A_38 = %scan3A_7 to %scan3A_9 step %scan3A_10 iter_args(%scan3A_39 = %scan3A) -> (i32)  : i32 {
      %mul3A_40 = arith.constant 4 : i32
      %mul3A_41 = arith.muli %scan3A_38, %mul3A_40 : i32
      %gt3A = arith.constant 0 : i32
      %gt3A_42 = arith.cmpi sgt, %scan3A_38, %gt3A : i32
      %convert_element_type3A = arith.extui %gt3A_42 : i1 to i32
      %cond3A = arith.constant 0 : i32
      %cond3A_43 = arith.cmpi ne, %convert_element_type3A, %cond3A : i32
      scf.if %cond3A_43 {
        %dma_wait3A_156 = arith.constant 0 : i32
        %dma_wait3A_157 = arith.constant 0 : i32
        %dma_wait3A_158 = tpu.memref_slice %arg18[%dma_wait3A_156, %dma_wait3A_157] : memref<10240x128xf32, #tpu.memory_space<vmem_shared>> -> memref<10240x128xf32, #tpu.memory_space<vmem_shared>>
        tpu.wait_indirect_dma semaphore(%arg23 : memref<!tpu.dma_semaphore, #tpu.memory_space<semaphore_mem>>) src(%arg13 : memref<64x128xf32, #tpu.memory_space<vmem>>) dst(%dma_wait3A_158 : memref<10240x128xf32, #tpu.memory_space<vmem_shared>>)
      } else {
      }
      %add3A_44 = arith.constant 0 : i32
      %add3A_45 = arith.addi %mul3A_41, %add3A_44 : i32
      %mul3A_46 = arith.constant 64 : i32
      %mul3A_47 = arith.muli %add3A_45, %mul3A_46 : i32
      %add3A_48 = arith.addi %mul3A_4, %mul3A_47 : i32
      %dma_start3A_49 = tpu.memref_slice %arg4[%add3A_48] : memref<320000xi32, #tpu.memory_space<hbm>> -> memref<64xi32, #tpu.memory_space<hbm>>
      %dma_start3A_50 = tpu.memref_slice %arg4[%add3A_48] : memref<320000xi32, #tpu.memory_space<hbm>> -> memref<64xi32, #tpu.memory_space<hbm>>
      tpu.enqueue_dma source(%dma_start3A_50 : memref<64xi32, #tpu.memory_space<hbm>>) target(%arg8 : memref<64xi32, #tpu.memory_space<vmem>>) target_semaphore(%arg27 : memref<!tpu.dma_semaphore, #tpu.memory_space<semaphore_mem>>)
      %add3A_51 = arith.constant 0 : i32
      %add3A_52 = arith.addi %mul3A_41, %add3A_51 : i32
      %mul3A_53 = arith.constant 64 : i32
      %mul3A_54 = arith.muli %add3A_52, %mul3A_53 : i32
      %dma_start3A_55 = tpu.memref_slice %arg7[%mul3A_54] : memref<10000xi32, #tpu.memory_space<vmem>> -> memref<64xi32, #tpu.memory_space<vmem>>
      %dma_start3A_56 = arith.constant 0 : i32
      %dma_start3A_57 = arith.constant 0 : i32
      %dma_start3A_58 = tpu.memref_slice %arg2[%dma_start3A_56, %dma_start3A_57] : memref<10000x128xf32, #tpu.memory_space<hbm>> -> memref<10000x128xf32, #tpu.memory_space<hbm>>
      tpu.enqueue_indirect_dma source(%dma_start3A_58 : memref<10000x128xf32, #tpu.memory_space<hbm>>) target(%arg13 : memref<64x128xf32, #tpu.memory_space<vmem>>) offsets(%dma_start3A_55 : memref<64xi32, #tpu.memory_space<vmem>>) semaphore(%arg19 : memref<!tpu.dma_semaphore, #tpu.memory_space<semaphore_mem>>)
      %gt3A_59 = arith.constant 0 : i32
      %gt3A_60 = arith.cmpi sgt, %scan3A_38, %gt3A_59 : i32
      %convert_element_type3A_61 = arith.extui %gt3A_60 : i1 to i32
      %cond3A_62 = arith.constant 0 : i32
      %cond3A_63 = arith.cmpi ne, %convert_element_type3A_61, %cond3A_62 : i32
      scf.if %cond3A_63 {
        %dma_wait3A_156 = arith.constant 0 : i32
        %dma_wait3A_157 = arith.constant 0 : i32
        %dma_wait3A_158 = tpu.memref_slice %arg18[%dma_wait3A_156, %dma_wait3A_157] : memref<10240x128xf32, #tpu.memory_space<vmem_shared>> -> memref<10240x128xf32, #tpu.memory_space<vmem_shared>>
        tpu.wait_indirect_dma semaphore(%arg24 : memref<!tpu.dma_semaphore, #tpu.memory_space<semaphore_mem>>) src(%arg14 : memref<64x128xf32, #tpu.memory_space<vmem>>) dst(%dma_wait3A_158 : memref<10240x128xf32, #tpu.memory_space<vmem_shared>>)
      } else {
      }
      %add3A_64 = arith.constant 1 : i32
      %add3A_65 = arith.addi %mul3A_41, %add3A_64 : i32
      %mul3A_66 = arith.constant 64 : i32
      %mul3A_67 = arith.muli %add3A_65, %mul3A_66 : i32
      %add3A_68 = arith.addi %mul3A_4, %mul3A_67 : i32
      %dma_start3A_69 = tpu.memref_slice %arg4[%add3A_68] : memref<320000xi32, #tpu.memory_space<hbm>> -> memref<64xi32, #tpu.memory_space<hbm>>
      %dma_start3A_70 = tpu.memref_slice %arg4[%add3A_68] : memref<320000xi32, #tpu.memory_space<hbm>> -> memref<64xi32, #tpu.memory_space<hbm>>
      tpu.enqueue_dma source(%dma_start3A_70 : memref<64xi32, #tpu.memory_space<hbm>>) target(%arg9 : memref<64xi32, #tpu.memory_space<vmem>>) target_semaphore(%arg28 : memref<!tpu.dma_semaphore, #tpu.memory_space<semaphore_mem>>)
      %add3A_71 = arith.constant 1 : i32
      %add3A_72 = arith.addi %mul3A_41, %add3A_71 : i32
      %mul3A_73 = arith.constant 64 : i32
      %mul3A_74 = arith.muli %add3A_72, %mul3A_73 : i32
      %dma_start3A_75 = tpu.memref_slice %arg7[%mul3A_74] : memref<10000xi32, #tpu.memory_space<vmem>> -> memref<64xi32, #tpu.memory_space<vmem>>
      %dma_start3A_76 = arith.constant 0 : i32
      %dma_start3A_77 = arith.constant 0 : i32
      %dma_start3A_78 = tpu.memref_slice %arg2[%dma_start3A_76, %dma_start3A_77] : memref<10000x128xf32, #tpu.memory_space<hbm>> -> memref<10000x128xf32, #tpu.memory_space<hbm>>
      tpu.enqueue_indirect_dma source(%dma_start3A_78 : memref<10000x128xf32, #tpu.memory_space<hbm>>) target(%arg14 : memref<64x128xf32, #tpu.memory_space<vmem>>) offsets(%dma_start3A_75 : memref<64xi32, #tpu.memory_space<vmem>>) semaphore(%arg20 : memref<!tpu.dma_semaphore, #tpu.memory_space<semaphore_mem>>)
      %gt3A_79 = arith.constant 0 : i32
      %gt3A_80 = arith.cmpi sgt, %scan3A_38, %gt3A_79 : i32
      %convert_element_type3A_81 = arith.extui %gt3A_80 : i1 to i32
      %cond3A_82 = arith.constant 0 : i32
      %cond3A_83 = arith.cmpi ne, %convert_element_type3A_81, %cond3A_82 : i32
      scf.if %cond3A_83 {
        %dma_wait3A_156 = arith.constant 0 : i32
        %dma_wait3A_157 = arith.constant 0 : i32
        %dma_wait3A_158 = tpu.memref_slice %arg18[%dma_wait3A_156, %dma_wait3A_157] : memref<10240x128xf32, #tpu.memory_space<vmem_shared>> -> memref<10240x128xf32, #tpu.memory_space<vmem_shared>>
        tpu.wait_indirect_dma semaphore(%arg25 : memref<!tpu.dma_semaphore, #tpu.memory_space<semaphore_mem>>) src(%arg15 : memref<64x128xf32, #tpu.memory_space<vmem>>) dst(%dma_wait3A_158 : memref<10240x128xf32, #tpu.memory_space<vmem_shared>>)
      } else {
      }
      %add3A_84 = arith.constant 2 : i32
      %add3A_85 = arith.addi %mul3A_41, %add3A_84 : i32
      %mul3A_86 = arith.constant 64 : i32
      %mul3A_87 = arith.muli %add3A_85, %mul3A_86 : i32
      %add3A_88 = arith.addi %mul3A_4, %mul3A_87 : i32
      %dma_start3A_89 = tpu.memref_slice %arg4[%add3A_88] : memref<320000xi32, #tpu.memory_space<hbm>> -> memref<64xi32, #tpu.memory_space<hbm>>
      %dma_start3A_90 = tpu.memref_slice %arg4[%add3A_88] : memref<320000xi32, #tpu.memory_space<hbm>> -> memref<64xi32, #tpu.memory_space<hbm>>
      tpu.enqueue_dma source(%dma_start3A_90 : memref<64xi32, #tpu.memory_space<hbm>>) target(%arg10 : memref<64xi32, #tpu.memory_space<vmem>>) target_semaphore(%arg29 : memref<!tpu.dma_semaphore, #tpu.memory_space<semaphore_mem>>)
      %add3A_91 = arith.constant 2 : i32
      %add3A_92 = arith.addi %mul3A_41, %add3A_91 : i32
      %mul3A_93 = arith.constant 64 : i32
      %mul3A_94 = arith.muli %add3A_92, %mul3A_93 : i32
      %dma_start3A_95 = tpu.memref_slice %arg7[%mul3A_94] : memref<10000xi32, #tpu.memory_space<vmem>> -> memref<64xi32, #tpu.memory_space<vmem>>
      %dma_start3A_96 = arith.constant 0 : i32
      %dma_start3A_97 = arith.constant 0 : i32
      %dma_start3A_98 = tpu.memref_slice %arg2[%dma_start3A_96, %dma_start3A_97] : memref<10000x128xf32, #tpu.memory_space<hbm>> -> memref<10000x128xf32, #tpu.memory_space<hbm>>
      tpu.enqueue_indirect_dma source(%dma_start3A_98 : memref<10000x128xf32, #tpu.memory_space<hbm>>) target(%arg15 : memref<64x128xf32, #tpu.memory_space<vmem>>) offsets(%dma_start3A_95 : memref<64xi32, #tpu.memory_space<vmem>>) semaphore(%arg21 : memref<!tpu.dma_semaphore, #tpu.memory_space<semaphore_mem>>)
      %gt3A_99 = arith.constant 0 : i32
      %gt3A_100 = arith.cmpi sgt, %scan3A_38, %gt3A_99 : i32
      %convert_element_type3A_101 = arith.extui %gt3A_100 : i1 to i32
      %cond3A_102 = arith.constant 0 : i32
      %cond3A_103 = arith.cmpi ne, %convert_element_type3A_101, %cond3A_102 : i32
      scf.if %cond3A_103 {
        %dma_wait3A_156 = arith.constant 0 : i32
        %dma_wait3A_157 = arith.constant 0 : i32
        %dma_wait3A_158 = tpu.memref_slice %arg18[%dma_wait3A_156, %dma_wait3A_157] : memref<10240x128xf32, #tpu.memory_space<vmem_shared>> -> memref<10240x128xf32, #tpu.memory_space<vmem_shared>>
        tpu.wait_indirect_dma semaphore(%arg26 : memref<!tpu.dma_semaphore, #tpu.memory_space<semaphore_mem>>) src(%arg16 : memref<64x128xf32, #tpu.memory_space<vmem>>) dst(%dma_wait3A_158 : memref<10240x128xf32, #tpu.memory_space<vmem_shared>>)
      } else {
      }
      %add3A_104 = arith.constant 3 : i32
      %add3A_105 = arith.addi %mul3A_41, %add3A_104 : i32
      %mul3A_106 = arith.constant 64 : i32
      %mul3A_107 = arith.muli %add3A_105, %mul3A_106 : i32
      %add3A_108 = arith.addi %mul3A_4, %mul3A_107 : i32
      %dma_start3A_109 = tpu.memref_slice %arg4[%add3A_108] : memref<320000xi32, #tpu.memory_space<hbm>> -> memref<64xi32, #tpu.memory_space<hbm>>
      %dma_start3A_110 = tpu.memref_slice %arg4[%add3A_108] : memref<320000xi32, #tpu.memory_space<hbm>> -> memref<64xi32, #tpu.memory_space<hbm>>
      tpu.enqueue_dma source(%dma_start3A_110 : memref<64xi32, #tpu.memory_space<hbm>>) target(%arg11 : memref<64xi32, #tpu.memory_space<vmem>>) target_semaphore(%arg30 : memref<!tpu.dma_semaphore, #tpu.memory_space<semaphore_mem>>)
      %add3A_111 = arith.constant 3 : i32
      %add3A_112 = arith.addi %mul3A_41, %add3A_111 : i32
      %mul3A_113 = arith.constant 64 : i32
      %mul3A_114 = arith.muli %add3A_112, %mul3A_113 : i32
      %dma_start3A_115 = tpu.memref_slice %arg7[%mul3A_114] : memref<10000xi32, #tpu.memory_space<vmem>> -> memref<64xi32, #tpu.memory_space<vmem>>
      %dma_start3A_116 = arith.constant 0 : i32
      %dma_start3A_117 = arith.constant 0 : i32
      %dma_start3A_118 = tpu.memref_slice %arg2[%dma_start3A_116, %dma_start3A_117] : memref<10000x128xf32, #tpu.memory_space<hbm>> -> memref<10000x128xf32, #tpu.memory_space<hbm>>
      tpu.enqueue_indirect_dma source(%dma_start3A_118 : memref<10000x128xf32, #tpu.memory_space<hbm>>) target(%arg16 : memref<64x128xf32, #tpu.memory_space<vmem>>) offsets(%dma_start3A_115 : memref<64xi32, #tpu.memory_space<vmem>>) semaphore(%arg22 : memref<!tpu.dma_semaphore, #tpu.memory_space<semaphore_mem>>)
      %dma_wait3A_119 = tpu.memref_slice %arg4[%add3A_48] : memref<320000xi32, #tpu.memory_space<hbm>> -> memref<64xi32, #tpu.memory_space<hbm>>
      %dma_wait3A_120 = tpu.memref_slice %arg4[%add3A_48] : memref<320000xi32, #tpu.memory_space<hbm>> -> memref<64xi32, #tpu.memory_space<hbm>>
      tpu.wait_dma2 semaphore(%arg27 : memref<!tpu.dma_semaphore, #tpu.memory_space<semaphore_mem>>) src(%dma_wait3A_120 : memref<64xi32, #tpu.memory_space<hbm>>) dst(%arg8 : memref<64xi32, #tpu.memory_space<vmem>>)
      %dma_wait3A_121 = tpu.memref_slice %arg7[%mul3A_54] : memref<10000xi32, #tpu.memory_space<vmem>> -> memref<64xi32, #tpu.memory_space<vmem>>
      %dma_wait3A_122 = arith.constant 0 : i32
      %dma_wait3A_123 = arith.constant 0 : i32
      %dma_wait3A_124 = tpu.memref_slice %arg2[%dma_wait3A_122, %dma_wait3A_123] : memref<10000x128xf32, #tpu.memory_space<hbm>> -> memref<10000x128xf32, #tpu.memory_space<hbm>>
      tpu.wait_indirect_dma semaphore(%arg19 : memref<!tpu.dma_semaphore, #tpu.memory_space<semaphore_mem>>) src(%dma_wait3A_124 : memref<10000x128xf32, #tpu.memory_space<hbm>>) dst(%arg13 : memref<64x128xf32, #tpu.memory_space<vmem>>)
      %dma_start3A_125 = arith.constant 0 : i32
      %dma_start3A_126 = arith.constant 0 : i32
      %dma_start3A_127 = tpu.memref_slice %arg18[%dma_start3A_125, %dma_start3A_126] : memref<10240x128xf32, #tpu.memory_space<vmem_shared>> -> memref<10240x128xf32, #tpu.memory_space<vmem_shared>>
      tpu.enqueue_indirect_dma source(%arg13 : memref<64x128xf32, #tpu.memory_space<vmem>>) target(%dma_start3A_127 : memref<10240x128xf32, #tpu.memory_space<vmem_shared>>) offsets(%arg8 : memref<64xi32, #tpu.memory_space<vmem>>) semaphore(%arg23 : memref<!tpu.dma_semaphore, #tpu.memory_space<semaphore_mem>>) {add = true}
      %dma_wait3A_128 = tpu.memref_slice %arg4[%add3A_68] : memref<320000xi32, #tpu.memory_space<hbm>> -> memref<64xi32, #tpu.memory_space<hbm>>
      %dma_wait3A_129 = tpu.memref_slice %arg4[%add3A_68] : memref<320000xi32, #tpu.memory_space<hbm>> -> memref<64xi32, #tpu.memory_space<hbm>>
      tpu.wait_dma2 semaphore(%arg28 : memref<!tpu.dma_semaphore, #tpu.memory_space<semaphore_mem>>) src(%dma_wait3A_129 : memref<64xi32, #tpu.memory_space<hbm>>) dst(%arg9 : memref<64xi32, #tpu.memory_space<vmem>>)
      %dma_wait3A_130 = tpu.memref_slice %arg7[%mul3A_74] : memref<10000xi32, #tpu.memory_space<vmem>> -> memref<64xi32, #tpu.memory_space<vmem>>
      %dma_wait3A_131 = arith.constant 0 : i32
      %dma_wait3A_132 = arith.constant 0 : i32
      %dma_wait3A_133 = tpu.memref_slice %arg2[%dma_wait3A_131, %dma_wait3A_132] : memref<10000x128xf32, #tpu.memory_space<hbm>> -> memref<10000x128xf32, #tpu.memory_space<hbm>>
      tpu.wait_indirect_dma semaphore(%arg20 : memref<!tpu.dma_semaphore, #tpu.memory_space<semaphore_mem>>) src(%dma_wait3A_133 : memref<10000x128xf32, #tpu.memory_space<hbm>>) dst(%arg14 : memref<64x128xf32, #tpu.memory_space<vmem>>)
      %dma_start3A_134 = arith.constant 0 : i32
      %dma_start3A_135 = arith.constant 0 : i32
      %dma_start3A_136 = tpu.memref_slice %arg18[%dma_start3A_134, %dma_start3A_135] : memref<10240x128xf32, #tpu.memory_space<vmem_shared>> -> memref<10240x128xf32, #tpu.memory_space<vmem_shared>>
      tpu.enqueue_indirect_dma source(%arg14 : memref<64x128xf32, #tpu.memory_space<vmem>>) target(%dma_start3A_136 : memref<10240x128xf32, #tpu.memory_space<vmem_shared>>) offsets(%arg9 : memref<64xi32, #tpu.memory_space<vmem>>) semaphore(%arg24 : memref<!tpu.dma_semaphore, #tpu.memory_space<semaphore_mem>>) {add = true}
      %dma_wait3A_137 = tpu.memref_slice %arg4[%add3A_88] : memref<320000xi32, #tpu.memory_space<hbm>> -> memref<64xi32, #tpu.memory_space<hbm>>
      %dma_wait3A_138 = tpu.memref_slice %arg4[%add3A_88] : memref<320000xi32, #tpu.memory_space<hbm>> -> memref<64xi32, #tpu.memory_space<hbm>>
      tpu.wait_dma2 semaphore(%arg29 : memref<!tpu.dma_semaphore, #tpu.memory_space<semaphore_mem>>) src(%dma_wait3A_138 : memref<64xi32, #tpu.memory_space<hbm>>) dst(%arg10 : memref<64xi32, #tpu.memory_space<vmem>>)
      %dma_wait3A_139 = tpu.memref_slice %arg7[%mul3A_94] : memref<10000xi32, #tpu.memory_space<vmem>> -> memref<64xi32, #tpu.memory_space<vmem>>
      %dma_wait3A_140 = arith.constant 0 : i32
      %dma_wait3A_141 = arith.constant 0 : i32
      %dma_wait3A_142 = tpu.memref_slice %arg2[%dma_wait3A_140, %dma_wait3A_141] : memref<10000x128xf32, #tpu.memory_space<hbm>> -> memref<10000x128xf32, #tpu.memory_space<hbm>>
      tpu.wait_indirect_dma semaphore(%arg21 : memref<!tpu.dma_semaphore, #tpu.memory_space<semaphore_mem>>) src(%dma_wait3A_142 : memref<10000x128xf32, #tpu.memory_space<hbm>>) dst(%arg15 : memref<64x128xf32, #tpu.memory_space<vmem>>)
      %dma_start3A_143 = arith.constant 0 : i32
      %dma_start3A_144 = arith.constant 0 : i32
      %dma_start3A_145 = tpu.memref_slice %arg18[%dma_start3A_143, %dma_start3A_144] : memref<10240x128xf32, #tpu.memory_space<vmem_shared>> -> memref<10240x128xf32, #tpu.memory_space<vmem_shared>>
      tpu.enqueue_indirect_dma source(%arg15 : memref<64x128xf32, #tpu.memory_space<vmem>>) target(%dma_start3A_145 : memref<10240x128xf32, #tpu.memory_space<vmem_shared>>) offsets(%arg10 : memref<64xi32, #tpu.memory_space<vmem>>) semaphore(%arg25 : memref<!tpu.dma_semaphore, #tpu.memory_space<semaphore_mem>>) {add = true}
      %dma_wait3A_146 = tpu.memref_slice %arg4[%add3A_108] : memref<320000xi32, #tpu.memory_space<hbm>> -> memref<64xi32, #tpu.memory_space<hbm>>
      %dma_wait3A_147 = tpu.memref_slice %arg4[%add3A_108] : memref<320000xi32, #tpu.memory_space<hbm>> -> memref<64xi32, #tpu.memory_space<hbm>>
      tpu.wait_dma2 semaphore(%arg30 : memref<!tpu.dma_semaphore, #tpu.memory_space<semaphore_mem>>) src(%dma_wait3A_147 : memref<64xi32, #tpu.memory_space<hbm>>) dst(%arg11 : memref<64xi32, #tpu.memory_space<vmem>>)
      %dma_wait3A_148 = tpu.memref_slice %arg7[%mul3A_114] : memref<10000xi32, #tpu.memory_space<vmem>> -> memref<64xi32, #tpu.memory_space<vmem>>
      %dma_wait3A_149 = arith.constant 0 : i32
      %dma_wait3A_150 = arith.constant 0 : i32
      %dma_wait3A_151 = tpu.memref_slice %arg2[%dma_wait3A_149, %dma_wait3A_150] : memref<10000x128xf32, #tpu.memory_space<hbm>> -> memref<10000x128xf32, #tpu.memory_space<hbm>>
      tpu.wait_indirect_dma semaphore(%arg22 : memref<!tpu.dma_semaphore, #tpu.memory_space<semaphore_mem>>) src(%dma_wait3A_151 : memref<10000x128xf32, #tpu.memory_space<hbm>>) dst(%arg16 : memref<64x128xf32, #tpu.memory_space<vmem>>)
      %dma_start3A_152 = arith.constant 0 : i32
      %dma_start3A_153 = arith.constant 0 : i32
      %dma_start3A_154 = tpu.memref_slice %arg18[%dma_start3A_152, %dma_start3A_153] : memref<10240x128xf32, #tpu.memory_space<vmem_shared>> -> memref<10240x128xf32, #tpu.memory_space<vmem_shared>>
      tpu.enqueue_indirect_dma source(%arg16 : memref<64x128xf32, #tpu.memory_space<vmem>>) target(%dma_start3A_154 : memref<10240x128xf32, #tpu.memory_space<vmem_shared>>) offsets(%arg11 : memref<64xi32, #tpu.memory_space<vmem>>) semaphore(%arg26 : memref<!tpu.dma_semaphore, #tpu.memory_space<semaphore_mem>>) {add = true}
      %scan3A_155 = arith.constant 0 : i32
      scf.yield %scan3A_155 : i32
    }
    %scan3A_12 = arith.constant 39 : i32
    %dma_wait3A_13 = arith.constant 0 : i32
    %dma_wait3A_14 = arith.constant 0 : i32
    %dma_wait3A_15 = tpu.memref_slice %arg18[%dma_wait3A_13, %dma_wait3A_14] : memref<10240x128xf32, #tpu.memory_space<vmem_shared>> -> memref<10240x128xf32, #tpu.memory_space<vmem_shared>>
    tpu.wait_indirect_dma semaphore(%arg23 : memref<!tpu.dma_semaphore, #tpu.memory_space<semaphore_mem>>) src(%arg13 : memref<64x128xf32, #tpu.memory_space<vmem>>) dst(%dma_wait3A_15 : memref<10240x128xf32, #tpu.memory_space<vmem_shared>>)
    %dma_wait3A_16 = arith.constant 0 : i32
    %dma_wait3A_17 = arith.constant 0 : i32
    %dma_wait3A_18 = tpu.memref_slice %arg18[%dma_wait3A_16, %dma_wait3A_17] : memref<10240x128xf32, #tpu.memory_space<vmem_shared>> -> memref<10240x128xf32, #tpu.memory_space<vmem_shared>>
    tpu.wait_indirect_dma semaphore(%arg24 : memref<!tpu.dma_semaphore, #tpu.memory_space<semaphore_mem>>) src(%arg14 : memref<64x128xf32, #tpu.memory_space<vmem>>) dst(%dma_wait3A_18 : memref<10240x128xf32, #tpu.memory_space<vmem_shared>>)
    %dma_wait3A_19 = arith.constant 0 : i32
    %dma_wait3A_20 = arith.constant 0 : i32
    %dma_wait3A_21 = tpu.memref_slice %arg18[%dma_wait3A_19, %dma_wait3A_20] : memref<10240x128xf32, #tpu.memory_space<vmem_shared>> -> memref<10240x128xf32, #tpu.memory_space<vmem_shared>>
    tpu.wait_indirect_dma semaphore(%arg25 : memref<!tpu.dma_semaphore, #tpu.memory_space<semaphore_mem>>) src(%arg15 : memref<64x128xf32, #tpu.memory_space<vmem>>) dst(%dma_wait3A_21 : memref<10240x128xf32, #tpu.memory_space<vmem_shared>>)
    %dma_wait3A_22 = arith.constant 0 : i32
    %dma_wait3A_23 = arith.constant 0 : i32
    %dma_wait3A_24 = tpu.memref_slice %arg18[%dma_wait3A_22, %dma_wait3A_23] : memref<10240x128xf32, #tpu.memory_space<vmem_shared>> -> memref<10240x128xf32, #tpu.memory_space<vmem_shared>>
    tpu.wait_indirect_dma semaphore(%arg26 : memref<!tpu.dma_semaphore, #tpu.memory_space<semaphore_mem>>) src(%arg16 : memref<64x128xf32, #tpu.memory_space<vmem>>) dst(%dma_wait3A_24 : memref<10240x128xf32, #tpu.memory_space<vmem_shared>>)
    %add3A_25 = arith.constant 9984 : i32
    %add3A_26 = arith.addi %mul3A_4, %add3A_25 : i32
    "tpu.region"() ({
      %run_scoped3A = tpu.sem_alloc : memref<!tpu.dma_semaphore, #tpu.memory_space<semaphore_mem>>
      %dma_start3A_38 = tpu.memref_slice %arg4[%add3A_26] : memref<320000xi32, #tpu.memory_space<hbm>> -> memref<16xi32, #tpu.memory_space<hbm>>
      %dma_start3A_39 = tpu.memref_slice %arg4[%add3A_26] : memref<320000xi32, #tpu.memory_space<hbm>> -> memref<16xi32, #tpu.memory_space<hbm>>
      tpu.enqueue_dma source(%dma_start3A_39 : memref<16xi32, #tpu.memory_space<hbm>>) target(%arg12 : memref<16xi32, #tpu.memory_space<vmem>>) target_semaphore(%run_scoped3A : memref<!tpu.dma_semaphore, #tpu.memory_space<semaphore_mem>>)
      %dma_wait3A_40 = tpu.memref_slice %arg4[%add3A_26] : memref<320000xi32, #tpu.memory_space<hbm>> -> memref<16xi32, #tpu.memory_space<hbm>>
      %dma_wait3A_41 = tpu.memref_slice %arg4[%add3A_26] : memref<320000xi32, #tpu.memory_space<hbm>> -> memref<16xi32, #tpu.memory_space<hbm>>
      tpu.wait_dma2 semaphore(%run_scoped3A : memref<!tpu.dma_semaphore, #tpu.memory_space<semaphore_mem>>) src(%dma_wait3A_41 : memref<16xi32, #tpu.memory_space<hbm>>) dst(%arg12 : memref<16xi32, #tpu.memory_space<vmem>>)
      tpu.yield
    }) : () -> ()
    %dma_start3A_27 = arith.constant 9984 : i32
    %dma_start3A_28 = tpu.memref_slice %arg7[%dma_start3A_27] : memref<10000xi32, #tpu.memory_space<vmem>> -> memref<16xi32, #tpu.memory_space<vmem>>
    %dma_start3A_29 = arith.constant 0 : i32
    %dma_start3A_30 = arith.constant 0 : i32
    %dma_start3A_31 = tpu.memref_slice %arg2[%dma_start3A_29, %dma_start3A_30] : memref<10000x128xf32, #tpu.memory_space<hbm>> -> memref<10000x128xf32, #tpu.memory_space<hbm>>
    tpu.enqueue_indirect_dma source(%dma_start3A_31 : memref<10000x128xf32, #tpu.memory_space<hbm>>) target(%arg17 : memref<16x128xf32, #tpu.memory_space<vmem>>) offsets(%dma_start3A_28 : memref<16xi32, #tpu.memory_space<vmem>>) semaphore(%arg19 : memref<!tpu.dma_semaphore, #tpu.memory_space<semaphore_mem>>)
    %dma_wait3A_32 = arith.constant 9984 : i32
    %dma_wait3A_33 = tpu.memref_slice %arg7[%dma_wait3A_32] : memref<10000xi32, #tpu.memory_space<vmem>> -> memref<16xi32, #tpu.memory_space<vmem>>
    %dma_wait3A_34 = arith.constant 0 : i32
    %dma_wait3A_35 = arith.constant 0 : i32
    %dma_wait3A_36 = tpu.memref_slice %arg2[%dma_wait3A_34, %dma_wait3A_35] : memref<10000x128xf32, #tpu.memory_space<hbm>> -> memref<10000x128xf32, #tpu.memory_space<hbm>>
    tpu.wait_indirect_dma semaphore(%arg19 : memref<!tpu.dma_semaphore, #tpu.memory_space<semaphore_mem>>) src(%dma_wait3A_36 : memref<10000x128xf32, #tpu.memory_space<hbm>>) dst(%arg17 : memref<16x128xf32, #tpu.memory_space<vmem>>)
    "tpu.region"() ({
      %run_scoped3A = tpu.sem_alloc : memref<!tpu.dma_semaphore, #tpu.memory_space<semaphore_mem>>
      %dma_start3A_38 = arith.constant 0 : i32
      %dma_start3A_39 = arith.constant 0 : i32
      %dma_start3A_40 = tpu.memref_slice %arg18[%dma_start3A_38, %dma_start3A_39] : memref<10240x128xf32, #tpu.memory_space<vmem_shared>> -> memref<10240x128xf32, #tpu.memory_space<vmem_shared>>
      tpu.enqueue_indirect_dma source(%arg17 : memref<16x128xf32, #tpu.memory_space<vmem>>) target(%dma_start3A_40 : memref<10240x128xf32, #tpu.memory_space<vmem_shared>>) offsets(%arg12 : memref<16xi32, #tpu.memory_space<vmem>>) semaphore(%run_scoped3A : memref<!tpu.dma_semaphore, #tpu.memory_space<semaphore_mem>>) {add = true}
      %dma_wait3A_41 = arith.constant 0 : i32
      %dma_wait3A_42 = arith.constant 0 : i32
      %dma_wait3A_43 = tpu.memref_slice %arg18[%dma_wait3A_41, %dma_wait3A_42] : memref<10240x128xf32, #tpu.memory_space<vmem_shared>> -> memref<10240x128xf32, #tpu.memory_space<vmem_shared>>
      tpu.wait_indirect_dma semaphore(%run_scoped3A : memref<!tpu.dma_semaphore, #tpu.memory_space<semaphore_mem>>) src(%arg17 : memref<16x128xf32, #tpu.memory_space<vmem>>) dst(%dma_wait3A_43 : memref<10240x128xf32, #tpu.memory_space<vmem_shared>>)
      tpu.yield
    }) : () -> ()
    %barrier3A_37 = arith.constant 0 : index
    tpu.barrier barrier_id(%barrier3A_37)
    "tpu.region"() ({
      %run_scoped3A = tpu.sem_alloc : memref<!tpu.dma_semaphore, #tpu.memory_space<semaphore_mem>>
      %dma_start3A_38 = arith.constant 0 : i32
      %dma_start3A_39 = tpu.memref_slice %arg6[%arg0, %mul3A_2, %dma_start3A_38] : memref<2x10240x128xf32, #tpu.memory_space<hbm>> -> memref<1x640x128xf32, #tpu.memory_space<hbm>>
      %dma_start3A_40 = tpu.memref_squeeze %dma_start3A_39 : memref<1x640x128xf32, #tpu.memory_space<hbm>> -> memref<640x128xf32, #tpu.memory_space<hbm>>
      %dma_start3A_41 = arith.constant 0 : i32
      %dma_start3A_42 = tpu.memref_slice %arg18[%mul3A_2, %dma_start3A_41] : memref<10240x128xf32, #tpu.memory_space<vmem_shared>> -> memref<640x128xf32, #tpu.memory_space<vmem_shared>>
      tpu.enqueue_dma source(%dma_start3A_42 : memref<640x128xf32, #tpu.memory_space<vmem_shared>>) target(%dma_start3A_40 : memref<640x128xf32, #tpu.memory_space<hbm>>) target_semaphore(%run_scoped3A : memref<!tpu.dma_semaphore, #tpu.memory_space<semaphore_mem>>)
      %dma_wait3A_43 = arith.constant 0 : i32
      %dma_wait3A_44 = tpu.memref_slice %arg6[%arg0, %mul3A_2, %dma_wait3A_43] : memref<2x10240x128xf32, #tpu.memory_space<hbm>> -> memref<1x640x128xf32, #tpu.memory_space<hbm>>
      %dma_wait3A_45 = tpu.memref_squeeze %dma_wait3A_44 : memref<1x640x128xf32, #tpu.memory_space<hbm>> -> memref<640x128xf32, #tpu.memory_space<hbm>>
      %dma_wait3A_46 = arith.constant 0 : i32
      %dma_wait3A_47 = tpu.memref_slice %arg18[%mul3A_2, %dma_wait3A_46] : memref<10240x128xf32, #tpu.memory_space<vmem_shared>> -> memref<640x128xf32, #tpu.memory_space<vmem_shared>>
      tpu.wait_dma2 semaphore(%run_scoped3A : memref<!tpu.dma_semaphore, #tpu.memory_space<semaphore_mem>>) src(%dma_wait3A_47 : memref<640x128xf32, #tpu.memory_space<vmem_shared>>) dst(%dma_wait3A_45 : memref<640x128xf32, #tpu.memory_space<hbm>>)
      tpu.yield
    }) : () -> ()
    return
  }
}

#map = affine_map<(d0, d1) -> (0, 0)>
#map1 = affine_map<(d0, d1) -> (0)>
#map2 = affine_map<(d0, d1) -> (0, 0, 0)>
module attributes {stable_mosaic.version = 14 : i64} {
  func.func @_prop_kernel(%arg0: i32, %arg1: i32, %arg2: memref<10000x128xf32, #tpu.memory_space<hbm>>, %arg3: memref<320000xi32, #tpu.memory_space<hbm>>, %arg4: memref<320000xi32, #tpu.memory_space<hbm>>, %arg5: memref<10240x128xf32, #tpu.memory_space<hbm>>, %arg6: memref<2x10240x128xf32, #tpu.memory_space<hbm>>, %arg7: memref<10000xi32, #tpu.memory_space<vmem>>, %arg8: memref<64xi32, #tpu.memory_space<vmem>>, %arg9: memref<64xi32, #tpu.memory_space<vmem>>, %arg10: memref<64xi32, #tpu.memory_space<vmem>>, %arg11: memref<64xi32, #tpu.memory_space<vmem>>, %arg12: memref<16xi32, #tpu.memory_space<vmem>>, %arg13: memref<64x128xf32, #tpu.memory_space<vmem>>, %arg14: memref<64x128xf32, #tpu.memory_space<vmem>>, %arg15: memref<64x128xf32, #tpu.memory_space<vmem>>, %arg16: memref<64x128xf32, #tpu.memory_space<vmem>>, %arg17: memref<16x128xf32, #tpu.memory_space<vmem>>, %arg18: memref<10240x128xf32, #tpu.memory_space<vmem_shared>>, %arg19: memref<!tpu.dma_semaphore, #tpu.memory_space<semaphore_mem>>, %arg20: memref<!tpu.dma_semaphore, #tpu.memory_space<semaphore_mem>>, %arg21: memref<!tpu.dma_semaphore, #tpu.memory_space<semaphore_mem>>, %arg22: memref<!tpu.dma_semaphore, #tpu.memory_space<semaphore_mem>>, %arg23: memref<!tpu.dma_semaphore, #tpu.memory_space<semaphore_mem>>, %arg24: memref<!tpu.dma_semaphore, #tpu.memory_space<semaphore_mem>>, %arg25: memref<!tpu.dma_semaphore, #tpu.memory_space<semaphore_mem>>, %arg26: memref<!tpu.dma_semaphore, #tpu.memory_space<semaphore_mem>>, %arg27: memref<!tpu.dma_semaphore, #tpu.memory_space<semaphore_mem>>, %arg28: memref<!tpu.dma_semaphore, #tpu.memory_space<semaphore_mem>>, %arg29: memref<!tpu.dma_semaphore, #tpu.memory_space<semaphore_mem>>, %arg30: memref<!tpu.dma_semaphore, #tpu.memory_space<semaphore_mem>>) attributes {dimension_semantics = [#tpu.dimension_semantics<core_parallel>, #tpu.dimension_semantics<subcore_parallel>], iteration_bounds = array<i64: 2, 16>, scalar_prefetch = 0 : i64, scratch_operands = 24 : i64, tpu.core_type = #tpu.core_type<sc_vector_subcore>, window_params = [{transform_indices = #map}, {transform_indices = #map1}, {transform_indices = #map1}, {transform_indices = #map}, {transform_indices = #map2}]} {
    %mul3A = arith.constant 16 : i32
    %mul3A_0 = arith.muli %arg0, %mul3A : i32
    %add3A = arith.addi %mul3A_0, %arg1 : i32
    %mul3A_1 = arith.constant 640 : i32
    %mul3A_2 = arith.muli %arg1, %mul3A_1 : i32
    %mul3A_3 = arith.constant 10000 : i32
    %mul3A_4 = arith.muli %add3A, %mul3A_3 : i32
    %dma_start3A = tpu.memref_slice %arg3[%mul3A_4] : memref<320000xi32, #tpu.memory_space<hbm>> -> memref<10000xi32, #tpu.memory_space<hbm>>
    %dma_start3A_5 = tpu.memref_slice %arg3[%mul3A_4] : memref<320000xi32, #tpu.memory_space<hbm>> -> memref<10000xi32, #tpu.memory_space<hbm>>
    tpu.enqueue_dma source(%dma_start3A_5 : memref<10000xi32, #tpu.memory_space<hbm>>) target(%arg7 : memref<10000xi32, #tpu.memory_space<vmem>>) target_semaphore(%arg19 : memref<!tpu.dma_semaphore, #tpu.memory_space<semaphore_mem>>)
    "tpu.region"() ({
      %run_scoped3A = tpu.sem_alloc : memref<!tpu.dma_semaphore, #tpu.memory_space<semaphore_mem>>
      %dma_start3A_38 = arith.constant 0 : i32
      %dma_start3A_39 = tpu.memref_slice %arg18[%mul3A_2, %dma_start3A_38] : memref<10240x128xf32, #tpu.memory_space<vmem_shared>> -> memref<640x128xf32, #tpu.memory_space<vmem_shared>>
      %dma_start3A_40 = arith.constant 0 : i32
      %dma_start3A_41 = tpu.memref_slice %arg5[%mul3A_2, %dma_start3A_40] : memref<10240x128xf32, #tpu.memory_space<hbm>> -> memref<640x128xf32, #tpu.memory_space<hbm>>
      tpu.enqueue_dma source(%dma_start3A_41 : memref<640x128xf32, #tpu.memory_space<hbm>>) target(%dma_start3A_39 : memref<640x128xf32, #tpu.memory_space<vmem_shared>>) target_semaphore(%run_scoped3A : memref<!tpu.dma_semaphore, #tpu.memory_space<semaphore_mem>>)
      %dma_wait3A_42 = arith.constant 0 : i32
      %dma_wait3A_43 = tpu.memref_slice %arg18[%mul3A_2, %dma_wait3A_42] : memref<10240x128xf32, #tpu.memory_space<vmem_shared>> -> memref<640x128xf32, #tpu.memory_space<vmem_shared>>
      %dma_wait3A_44 = arith.constant 0 : i32
      %dma_wait3A_45 = tpu.memref_slice %arg5[%mul3A_2, %dma_wait3A_44] : memref<10240x128xf32, #tpu.memory_space<hbm>> -> memref<640x128xf32, #tpu.memory_space<hbm>>
      tpu.wait_dma2 semaphore(%run_scoped3A : memref<!tpu.dma_semaphore, #tpu.memory_space<semaphore_mem>>) src(%dma_wait3A_45 : memref<640x128xf32, #tpu.memory_space<hbm>>) dst(%dma_wait3A_43 : memref<640x128xf32, #tpu.memory_space<vmem_shared>>)
      tpu.yield
    }) : () -> ()
    %dma_wait3A = tpu.memref_slice %arg3[%mul3A_4] : memref<320000xi32, #tpu.memory_space<hbm>> -> memref<10000xi32, #tpu.memory_space<hbm>>
    %dma_wait3A_6 = tpu.memref_slice %arg3[%mul3A_4] : memref<320000xi32, #tpu.memory_space<hbm>> -> memref<10000xi32, #tpu.memory_space<hbm>>
    tpu.wait_dma2 semaphore(%arg19 : memref<!tpu.dma_semaphore, #tpu.memory_space<semaphore_mem>>) src(%dma_wait3A_6 : memref<10000xi32, #tpu.memory_space<hbm>>) dst(%arg7 : memref<10000xi32, #tpu.memory_space<vmem>>)
    %barrier3A = arith.constant 0 : index
    tpu.barrier barrier_id(%barrier3A)
    %scan3A = arith.constant 0 : i32
    %scan3A_7 = arith.constant 0 : i32
    %scan3A_8 = arith.constant 39 : i32
    %scan3A_9 = arith.addi %scan3A_7, %scan3A_8 : i32
    %scan3A_10 = arith.constant 1 : i32
    %scan3A_11 = scf.for %scan3A_38 = %scan3A_7 to %scan3A_9 step %scan3A_10 iter_args(%scan3A_39 = %scan3A) -> (i32)  : i32 {
      %mul3A_40 = arith.constant 4 : i32
      %mul3A_41 = arith.muli %scan3A_38, %mul3A_40 : i32
      %gt3A = arith.constant 0 : i32
      %gt3A_42 = arith.cmpi sgt, %scan3A_38, %gt3A : i32
      %convert_element_type3A = arith.extui %gt3A_42 : i1 to i32
      %cond3A = arith.constant 0 : i32
      %cond3A_43 = arith.cmpi ne, %convert_element_type3A, %cond3A : i32
      scf.if %cond3A_43 {
        %dma_wait3A_156 = arith.constant 0 : i32
        %dma_wait3A_157 = arith.constant 0 : i32
        %dma_wait3A_158 = tpu.memref_slice %arg18[%dma_wait3A_156, %dma_wait3A_157] : memref<10240x128xf32, #tpu.memory_space<vmem_shared>> -> memref<10240x128xf32, #tpu.memory_space<vmem_shared>>
        tpu.wait_indirect_dma semaphore(%arg23 : memref<!tpu.dma_semaphore, #tpu.memory_space<semaphore_mem>>) src(%arg13 : memref<64x128xf32, #tpu.memory_space<vmem>>) dst(%dma_wait3A_158 : memref<10240x128xf32, #tpu.memory_space<vmem_shared>>)
      } else {
      }
      %add3A_44 = arith.constant 0 : i32
      %add3A_45 = arith.addi %mul3A_41, %add3A_44 : i32
      %mul3A_46 = arith.constant 64 : i32
      %mul3A_47 = arith.muli %add3A_45, %mul3A_46 : i32
      %add3A_48 = arith.addi %mul3A_4, %mul3A_47 : i32
      %dma_start3A_49 = tpu.memref_slice %arg4[%add3A_48] : memref<320000xi32, #tpu.memory_space<hbm>> -> memref<64xi32, #tpu.memory_space<hbm>>
      %dma_start3A_50 = tpu.memref_slice %arg4[%add3A_48] : memref<320000xi32, #tpu.memory_space<hbm>> -> memref<64xi32, #tpu.memory_space<hbm>>
      tpu.enqueue_dma source(%dma_start3A_50 : memref<64xi32, #tpu.memory_space<hbm>>) target(%arg8 : memref<64xi32, #tpu.memory_space<vmem>>) target_semaphore(%arg27 : memref<!tpu.dma_semaphore, #tpu.memory_space<semaphore_mem>>)
      %add3A_51 = arith.constant 0 : i32
      %add3A_52 = arith.addi %mul3A_41, %add3A_51 : i32
      %mul3A_53 = arith.constant 64 : i32
      %mul3A_54 = arith.muli %add3A_52, %mul3A_53 : i32
      %dma_start3A_55 = tpu.memref_slice %arg7[%mul3A_54] : memref<10000xi32, #tpu.memory_space<vmem>> -> memref<64xi32, #tpu.memory_space<vmem>>
      %dma_start3A_56 = arith.constant 0 : i32
      %dma_start3A_57 = arith.constant 0 : i32
      %dma_start3A_58 = tpu.memref_slice %arg2[%dma_start3A_56, %dma_start3A_57] : memref<10000x128xf32, #tpu.memory_space<hbm>> -> memref<10000x128xf32, #tpu.memory_space<hbm>>
      tpu.enqueue_indirect_dma source(%dma_start3A_58 : memref<10000x128xf32, #tpu.memory_space<hbm>>) target(%arg13 : memref<64x128xf32, #tpu.memory_space<vmem>>) offsets(%dma_start3A_55 : memref<64xi32, #tpu.memory_space<vmem>>) semaphore(%arg19 : memref<!tpu.dma_semaphore, #tpu.memory_space<semaphore_mem>>)
      %gt3A_59 = arith.constant 0 : i32
      %gt3A_60 = arith.cmpi sgt, %scan3A_38, %gt3A_59 : i32
      %convert_element_type3A_61 = arith.extui %gt3A_60 : i1 to i32
      %cond3A_62 = arith.constant 0 : i32
      %cond3A_63 = arith.cmpi ne, %convert_element_type3A_61, %cond3A_62 : i32
      scf.if %cond3A_63 {
        %dma_wait3A_156 = arith.constant 0 : i32
        %dma_wait3A_157 = arith.constant 0 : i32
        %dma_wait3A_158 = tpu.memref_slice %arg18[%dma_wait3A_156, %dma_wait3A_157] : memref<10240x128xf32, #tpu.memory_space<vmem_shared>> -> memref<10240x128xf32, #tpu.memory_space<vmem_shared>>
        tpu.wait_indirect_dma semaphore(%arg24 : memref<!tpu.dma_semaphore, #tpu.memory_space<semaphore_mem>>) src(%arg14 : memref<64x128xf32, #tpu.memory_space<vmem>>) dst(%dma_wait3A_158 : memref<10240x128xf32, #tpu.memory_space<vmem_shared>>)
      } else {
      }
      %add3A_64 = arith.constant 1 : i32
      %add3A_65 = arith.addi %mul3A_41, %add3A_64 : i32
      %mul3A_66 = arith.constant 64 : i32
      %mul3A_67 = arith.muli %add3A_65, %mul3A_66 : i32
      %add3A_68 = arith.addi %mul3A_4, %mul3A_67 : i32
      %dma_start3A_69 = tpu.memref_slice %arg4[%add3A_68] : memref<320000xi32, #tpu.memory_space<hbm>> -> memref<64xi32, #tpu.memory_space<hbm>>
      %dma_start3A_70 = tpu.memref_slice %arg4[%add3A_68] : memref<320000xi32, #tpu.memory_space<hbm>> -> memref<64xi32, #tpu.memory_space<hbm>>
      tpu.enqueue_dma source(%dma_start3A_70 : memref<64xi32, #tpu.memory_space<hbm>>) target(%arg9 : memref<64xi32, #tpu.memory_space<vmem>>) target_semaphore(%arg28 : memref<!tpu.dma_semaphore, #tpu.memory_space<semaphore_mem>>)
      %add3A_71 = arith.constant 1 : i32
      %add3A_72 = arith.addi %mul3A_41, %add3A_71 : i32
      %mul3A_73 = arith.constant 64 : i32
      %mul3A_74 = arith.muli %add3A_72, %mul3A_73 : i32
      %dma_start3A_75 = tpu.memref_slice %arg7[%mul3A_74] : memref<10000xi32, #tpu.memory_space<vmem>> -> memref<64xi32, #tpu.memory_space<vmem>>
      %dma_start3A_76 = arith.constant 0 : i32
      %dma_start3A_77 = arith.constant 0 : i32
      %dma_start3A_78 = tpu.memref_slice %arg2[%dma_start3A_76, %dma_start3A_77] : memref<10000x128xf32, #tpu.memory_space<hbm>> -> memref<10000x128xf32, #tpu.memory_space<hbm>>
      tpu.enqueue_indirect_dma source(%dma_start3A_78 : memref<10000x128xf32, #tpu.memory_space<hbm>>) target(%arg14 : memref<64x128xf32, #tpu.memory_space<vmem>>) offsets(%dma_start3A_75 : memref<64xi32, #tpu.memory_space<vmem>>) semaphore(%arg20 : memref<!tpu.dma_semaphore, #tpu.memory_space<semaphore_mem>>)
      %gt3A_79 = arith.constant 0 : i32
      %gt3A_80 = arith.cmpi sgt, %scan3A_38, %gt3A_79 : i32
      %convert_element_type3A_81 = arith.extui %gt3A_80 : i1 to i32
      %cond3A_82 = arith.constant 0 : i32
      %cond3A_83 = arith.cmpi ne, %convert_element_type3A_81, %cond3A_82 : i32
      scf.if %cond3A_83 {
        %dma_wait3A_156 = arith.constant 0 : i32
        %dma_wait3A_157 = arith.constant 0 : i32
        %dma_wait3A_158 = tpu.memref_slice %arg18[%dma_wait3A_156, %dma_wait3A_157] : memref<10240x128xf32, #tpu.memory_space<vmem_shared>> -> memref<10240x128xf32, #tpu.memory_space<vmem_shared>>
        tpu.wait_indirect_dma semaphore(%arg25 : memref<!tpu.dma_semaphore, #tpu.memory_space<semaphore_mem>>) src(%arg15 : memref<64x128xf32, #tpu.memory_space<vmem>>) dst(%dma_wait3A_158 : memref<10240x128xf32, #tpu.memory_space<vmem_shared>>)
      } else {
      }
      %add3A_84 = arith.constant 2 : i32
      %add3A_85 = arith.addi %mul3A_41, %add3A_84 : i32
      %mul3A_86 = arith.constant 64 : i32
      %mul3A_87 = arith.muli %add3A_85, %mul3A_86 : i32
      %add3A_88 = arith.addi %mul3A_4, %mul3A_87 : i32
      %dma_start3A_89 = tpu.memref_slice %arg4[%add3A_88] : memref<320000xi32, #tpu.memory_space<hbm>> -> memref<64xi32, #tpu.memory_space<hbm>>
      %dma_start3A_90 = tpu.memref_slice %arg4[%add3A_88] : memref<320000xi32, #tpu.memory_space<hbm>> -> memref<64xi32, #tpu.memory_space<hbm>>
      tpu.enqueue_dma source(%dma_start3A_90 : memref<64xi32, #tpu.memory_space<hbm>>) target(%arg10 : memref<64xi32, #tpu.memory_space<vmem>>) target_semaphore(%arg29 : memref<!tpu.dma_semaphore, #tpu.memory_space<semaphore_mem>>)
      %add3A_91 = arith.constant 2 : i32
      %add3A_92 = arith.addi %mul3A_41, %add3A_91 : i32
      %mul3A_93 = arith.constant 64 : i32
      %mul3A_94 = arith.muli %add3A_92, %mul3A_93 : i32
      %dma_start3A_95 = tpu.memref_slice %arg7[%mul3A_94] : memref<10000xi32, #tpu.memory_space<vmem>> -> memref<64xi32, #tpu.memory_space<vmem>>
      %dma_start3A_96 = arith.constant 0 : i32
      %dma_start3A_97 = arith.constant 0 : i32
      %dma_start3A_98 = tpu.memref_slice %arg2[%dma_start3A_96, %dma_start3A_97] : memref<10000x128xf32, #tpu.memory_space<hbm>> -> memref<10000x128xf32, #tpu.memory_space<hbm>>
      tpu.enqueue_indirect_dma source(%dma_start3A_98 : memref<10000x128xf32, #tpu.memory_space<hbm>>) target(%arg15 : memref<64x128xf32, #tpu.memory_space<vmem>>) offsets(%dma_start3A_95 : memref<64xi32, #tpu.memory_space<vmem>>) semaphore(%arg21 : memref<!tpu.dma_semaphore, #tpu.memory_space<semaphore_mem>>)
      %gt3A_99 = arith.constant 0 : i32
      %gt3A_100 = arith.cmpi sgt, %scan3A_38, %gt3A_99 : i32
      %convert_element_type3A_101 = arith.extui %gt3A_100 : i1 to i32
      %cond3A_102 = arith.constant 0 : i32
      %cond3A_103 = arith.cmpi ne, %convert_element_type3A_101, %cond3A_102 : i32
      scf.if %cond3A_103 {
        %dma_wait3A_156 = arith.constant 0 : i32
        %dma_wait3A_157 = arith.constant 0 : i32
        %dma_wait3A_158 = tpu.memref_slice %arg18[%dma_wait3A_156, %dma_wait3A_157] : memref<10240x128xf32, #tpu.memory_space<vmem_shared>> -> memref<10240x128xf32, #tpu.memory_space<vmem_shared>>
        tpu.wait_indirect_dma semaphore(%arg26 : memref<!tpu.dma_semaphore, #tpu.memory_space<semaphore_mem>>) src(%arg16 : memref<64x128xf32, #tpu.memory_space<vmem>>) dst(%dma_wait3A_158 : memref<10240x128xf32, #tpu.memory_space<vmem_shared>>)
      } else {
      }
      %add3A_104 = arith.constant 3 : i32
      %add3A_105 = arith.addi %mul3A_41, %add3A_104 : i32
      %mul3A_106 = arith.constant 64 : i32
      %mul3A_107 = arith.muli %add3A_105, %mul3A_106 : i32
      %add3A_108 = arith.addi %mul3A_4, %mul3A_107 : i32
      %dma_start3A_109 = tpu.memref_slice %arg4[%add3A_108] : memref<320000xi32, #tpu.memory_space<hbm>> -> memref<64xi32, #tpu.memory_space<hbm>>
      %dma_start3A_110 = tpu.memref_slice %arg4[%add3A_108] : memref<320000xi32, #tpu.memory_space<hbm>> -> memref<64xi32, #tpu.memory_space<hbm>>
      tpu.enqueue_dma source(%dma_start3A_110 : memref<64xi32, #tpu.memory_space<hbm>>) target(%arg11 : memref<64xi32, #tpu.memory_space<vmem>>) target_semaphore(%arg30 : memref<!tpu.dma_semaphore, #tpu.memory_space<semaphore_mem>>)
      %add3A_111 = arith.constant 3 : i32
      %add3A_112 = arith.addi %mul3A_41, %add3A_111 : i32
      %mul3A_113 = arith.constant 64 : i32
      %mul3A_114 = arith.muli %add3A_112, %mul3A_113 : i32
      %dma_start3A_115 = tpu.memref_slice %arg7[%mul3A_114] : memref<10000xi32, #tpu.memory_space<vmem>> -> memref<64xi32, #tpu.memory_space<vmem>>
      %dma_start3A_116 = arith.constant 0 : i32
      %dma_start3A_117 = arith.constant 0 : i32
      %dma_start3A_118 = tpu.memref_slice %arg2[%dma_start3A_116, %dma_start3A_117] : memref<10000x128xf32, #tpu.memory_space<hbm>> -> memref<10000x128xf32, #tpu.memory_space<hbm>>
      tpu.enqueue_indirect_dma source(%dma_start3A_118 : memref<10000x128xf32, #tpu.memory_space<hbm>>) target(%arg16 : memref<64x128xf32, #tpu.memory_space<vmem>>) offsets(%dma_start3A_115 : memref<64xi32, #tpu.memory_space<vmem>>) semaphore(%arg22 : memref<!tpu.dma_semaphore, #tpu.memory_space<semaphore_mem>>)
      %dma_wait3A_119 = tpu.memref_slice %arg4[%add3A_48] : memref<320000xi32, #tpu.memory_space<hbm>> -> memref<64xi32, #tpu.memory_space<hbm>>
      %dma_wait3A_120 = tpu.memref_slice %arg4[%add3A_48] : memref<320000xi32, #tpu.memory_space<hbm>> -> memref<64xi32, #tpu.memory_space<hbm>>
      tpu.wait_dma2 semaphore(%arg27 : memref<!tpu.dma_semaphore, #tpu.memory_space<semaphore_mem>>) src(%dma_wait3A_120 : memref<64xi32, #tpu.memory_space<hbm>>) dst(%arg8 : memref<64xi32, #tpu.memory_space<vmem>>)
      %dma_wait3A_121 = tpu.memref_slice %arg7[%mul3A_54] : memref<10000xi32, #tpu.memory_space<vmem>> -> memref<64xi32, #tpu.memory_space<vmem>>
      %dma_wait3A_122 = arith.constant 0 : i32
      %dma_wait3A_123 = arith.constant 0 : i32
      %dma_wait3A_124 = tpu.memref_slice %arg2[%dma_wait3A_122, %dma_wait3A_123] : memref<10000x128xf32, #tpu.memory_space<hbm>> -> memref<10000x128xf32, #tpu.memory_space<hbm>>
      tpu.wait_indirect_dma semaphore(%arg19 : memref<!tpu.dma_semaphore, #tpu.memory_space<semaphore_mem>>) src(%dma_wait3A_124 : memref<10000x128xf32, #tpu.memory_space<hbm>>) dst(%arg13 : memref<64x128xf32, #tpu.memory_space<vmem>>)
      %dma_start3A_125 = arith.constant 0 : i32
      %dma_start3A_126 = arith.constant 0 : i32
      %dma_start3A_127 = tpu.memref_slice %arg18[%dma_start3A_125, %dma_start3A_126] : memref<10240x128xf32, #tpu.memory_space<vmem_shared>> -> memref<10240x128xf32, #tpu.memory_space<vmem_shared>>
      tpu.enqueue_indirect_dma source(%arg13 : memref<64x128xf32, #tpu.memory_space<vmem>>) target(%dma_start3A_127 : memref<10240x128xf32, #tpu.memory_space<vmem_shared>>) offsets(%arg8 : memref<64xi32, #tpu.memory_space<vmem>>) semaphore(%arg23 : memref<!tpu.dma_semaphore, #tpu.memory_space<semaphore_mem>>) {add = true}
      %dma_wait3A_128 = tpu.memref_slice %arg4[%add3A_68] : memref<320000xi32, #tpu.memory_space<hbm>> -> memref<64xi32, #tpu.memory_space<hbm>>
      %dma_wait3A_129 = tpu.memref_slice %arg4[%add3A_68] : memref<320000xi32, #tpu.memory_space<hbm>> -> memref<64xi32, #tpu.memory_space<hbm>>
      tpu.wait_dma2 semaphore(%arg28 : memref<!tpu.dma_semaphore, #tpu.memory_space<semaphore_mem>>) src(%dma_wait3A_129 : memref<64xi32, #tpu.memory_space<hbm>>) dst(%arg9 : memref<64xi32, #tpu.memory_space<vmem>>)
      %dma_wait3A_130 = tpu.memref_slice %arg7[%mul3A_74] : memref<10000xi32, #tpu.memory_space<vmem>> -> memref<64xi32, #tpu.memory_space<vmem>>
      %dma_wait3A_131 = arith.constant 0 : i32
      %dma_wait3A_132 = arith.constant 0 : i32
      %dma_wait3A_133 = tpu.memref_slice %arg2[%dma_wait3A_131, %dma_wait3A_132] : memref<10000x128xf32, #tpu.memory_space<hbm>> -> memref<10000x128xf32, #tpu.memory_space<hbm>>
      tpu.wait_indirect_dma semaphore(%arg20 : memref<!tpu.dma_semaphore, #tpu.memory_space<semaphore_mem>>) src(%dma_wait3A_133 : memref<10000x128xf32, #tpu.memory_space<hbm>>) dst(%arg14 : memref<64x128xf32, #tpu.memory_space<vmem>>)
      %dma_start3A_134 = arith.constant 0 : i32
      %dma_start3A_135 = arith.constant 0 : i32
      %dma_start3A_136 = tpu.memref_slice %arg18[%dma_start3A_134, %dma_start3A_135] : memref<10240x128xf32, #tpu.memory_space<vmem_shared>> -> memref<10240x128xf32, #tpu.memory_space<vmem_shared>>
      tpu.enqueue_indirect_dma source(%arg14 : memref<64x128xf32, #tpu.memory_space<vmem>>) target(%dma_start3A_136 : memref<10240x128xf32, #tpu.memory_space<vmem_shared>>) offsets(%arg9 : memref<64xi32, #tpu.memory_space<vmem>>) semaphore(%arg24 : memref<!tpu.dma_semaphore, #tpu.memory_space<semaphore_mem>>) {add = true}
      %dma_wait3A_137 = tpu.memref_slice %arg4[%add3A_88] : memref<320000xi32, #tpu.memory_space<hbm>> -> memref<64xi32, #tpu.memory_space<hbm>>
      %dma_wait3A_138 = tpu.memref_slice %arg4[%add3A_88] : memref<320000xi32, #tpu.memory_space<hbm>> -> memref<64xi32, #tpu.memory_space<hbm>>
      tpu.wait_dma2 semaphore(%arg29 : memref<!tpu.dma_semaphore, #tpu.memory_space<semaphore_mem>>) src(%dma_wait3A_138 : memref<64xi32, #tpu.memory_space<hbm>>) dst(%arg10 : memref<64xi32, #tpu.memory_space<vmem>>)
      %dma_wait3A_139 = tpu.memref_slice %arg7[%mul3A_94] : memref<10000xi32, #tpu.memory_space<vmem>> -> memref<64xi32, #tpu.memory_space<vmem>>
      %dma_wait3A_140 = arith.constant 0 : i32
      %dma_wait3A_141 = arith.constant 0 : i32
      %dma_wait3A_142 = tpu.memref_slice %arg2[%dma_wait3A_140, %dma_wait3A_141] : memref<10000x128xf32, #tpu.memory_space<hbm>> -> memref<10000x128xf32, #tpu.memory_space<hbm>>
      tpu.wait_indirect_dma semaphore(%arg21 : memref<!tpu.dma_semaphore, #tpu.memory_space<semaphore_mem>>) src(%dma_wait3A_142 : memref<10000x128xf32, #tpu.memory_space<hbm>>) dst(%arg15 : memref<64x128xf32, #tpu.memory_space<vmem>>)
      %dma_start3A_143 = arith.constant 0 : i32
      %dma_start3A_144 = arith.constant 0 : i32
      %dma_start3A_145 = tpu.memref_slice %arg18[%dma_start3A_143, %dma_start3A_144] : memref<10240x128xf32, #tpu.memory_space<vmem_shared>> -> memref<10240x128xf32, #tpu.memory_space<vmem_shared>>
      tpu.enqueue_indirect_dma source(%arg15 : memref<64x128xf32, #tpu.memory_space<vmem>>) target(%dma_start3A_145 : memref<10240x128xf32, #tpu.memory_space<vmem_shared>>) offsets(%arg10 : memref<64xi32, #tpu.memory_space<vmem>>) semaphore(%arg25 : memref<!tpu.dma_semaphore, #tpu.memory_space<semaphore_mem>>) {add = true}
      %dma_wait3A_146 = tpu.memref_slice %arg4[%add3A_108] : memref<320000xi32, #tpu.memory_space<hbm>> -> memref<64xi32, #tpu.memory_space<hbm>>
      %dma_wait3A_147 = tpu.memref_slice %arg4[%add3A_108] : memref<320000xi32, #tpu.memory_space<hbm>> -> memref<64xi32, #tpu.memory_space<hbm>>
      tpu.wait_dma2 semaphore(%arg30 : memref<!tpu.dma_semaphore, #tpu.memory_space<semaphore_mem>>) src(%dma_wait3A_147 : memref<64xi32, #tpu.memory_space<hbm>>) dst(%arg11 : memref<64xi32, #tpu.memory_space<vmem>>)
      %dma_wait3A_148 = tpu.memref_slice %arg7[%mul3A_114] : memref<10000xi32, #tpu.memory_space<vmem>> -> memref<64xi32, #tpu.memory_space<vmem>>
      %dma_wait3A_149 = arith.constant 0 : i32
      %dma_wait3A_150 = arith.constant 0 : i32
      %dma_wait3A_151 = tpu.memref_slice %arg2[%dma_wait3A_149, %dma_wait3A_150] : memref<10000x128xf32, #tpu.memory_space<hbm>> -> memref<10000x128xf32, #tpu.memory_space<hbm>>
      tpu.wait_indirect_dma semaphore(%arg22 : memref<!tpu.dma_semaphore, #tpu.memory_space<semaphore_mem>>) src(%dma_wait3A_151 : memref<10000x128xf32, #tpu.memory_space<hbm>>) dst(%arg16 : memref<64x128xf32, #tpu.memory_space<vmem>>)
      %dma_start3A_152 = arith.constant 0 : i32
      %dma_start3A_153 = arith.constant 0 : i32
      %dma_start3A_154 = tpu.memref_slice %arg18[%dma_start3A_152, %dma_start3A_153] : memref<10240x128xf32, #tpu.memory_space<vmem_shared>> -> memref<10240x128xf32, #tpu.memory_space<vmem_shared>>
      tpu.enqueue_indirect_dma source(%arg16 : memref<64x128xf32, #tpu.memory_space<vmem>>) target(%dma_start3A_154 : memref<10240x128xf32, #tpu.memory_space<vmem_shared>>) offsets(%arg11 : memref<64xi32, #tpu.memory_space<vmem>>) semaphore(%arg26 : memref<!tpu.dma_semaphore, #tpu.memory_space<semaphore_mem>>) {add = true}
      %scan3A_155 = arith.constant 0 : i32
      scf.yield %scan3A_155 : i32
    }
    %scan3A_12 = arith.constant 39 : i32
    %dma_wait3A_13 = arith.constant 0 : i32
    %dma_wait3A_14 = arith.constant 0 : i32
    %dma_wait3A_15 = tpu.memref_slice %arg18[%dma_wait3A_13, %dma_wait3A_14] : memref<10240x128xf32, #tpu.memory_space<vmem_shared>> -> memref<10240x128xf32, #tpu.memory_space<vmem_shared>>
    tpu.wait_indirect_dma semaphore(%arg23 : memref<!tpu.dma_semaphore, #tpu.memory_space<semaphore_mem>>) src(%arg13 : memref<64x128xf32, #tpu.memory_space<vmem>>) dst(%dma_wait3A_15 : memref<10240x128xf32, #tpu.memory_space<vmem_shared>>)
    %dma_wait3A_16 = arith.constant 0 : i32
    %dma_wait3A_17 = arith.constant 0 : i32
    %dma_wait3A_18 = tpu.memref_slice %arg18[%dma_wait3A_16, %dma_wait3A_17] : memref<10240x128xf32, #tpu.memory_space<vmem_shared>> -> memref<10240x128xf32, #tpu.memory_space<vmem_shared>>
    tpu.wait_indirect_dma semaphore(%arg24 : memref<!tpu.dma_semaphore, #tpu.memory_space<semaphore_mem>>) src(%arg14 : memref<64x128xf32, #tpu.memory_space<vmem>>) dst(%dma_wait3A_18 : memref<10240x128xf32, #tpu.memory_space<vmem_shared>>)
    %dma_wait3A_19 = arith.constant 0 : i32
    %dma_wait3A_20 = arith.constant 0 : i32
    %dma_wait3A_21 = tpu.memref_slice %arg18[%dma_wait3A_19, %dma_wait3A_20] : memref<10240x128xf32, #tpu.memory_space<vmem_shared>> -> memref<10240x128xf32, #tpu.memory_space<vmem_shared>>
    tpu.wait_indirect_dma semaphore(%arg25 : memref<!tpu.dma_semaphore, #tpu.memory_space<semaphore_mem>>) src(%arg15 : memref<64x128xf32, #tpu.memory_space<vmem>>) dst(%dma_wait3A_21 : memref<10240x128xf32, #tpu.memory_space<vmem_shared>>)
    %dma_wait3A_22 = arith.constant 0 : i32
    %dma_wait3A_23 = arith.constant 0 : i32
    %dma_wait3A_24 = tpu.memref_slice %arg18[%dma_wait3A_22, %dma_wait3A_23] : memref<10240x128xf32, #tpu.memory_space<vmem_shared>> -> memref<10240x128xf32, #tpu.memory_space<vmem_shared>>
    tpu.wait_indirect_dma semaphore(%arg26 : memref<!tpu.dma_semaphore, #tpu.memory_space<semaphore_mem>>) src(%arg16 : memref<64x128xf32, #tpu.memory_space<vmem>>) dst(%dma_wait3A_24 : memref<10240x128xf32, #tpu.memory_space<vmem_shared>>)
    %add3A_25 = arith.constant 9984 : i32
    %add3A_26 = arith.addi %mul3A_4, %add3A_25 : i32
    "tpu.region"() ({
      %run_scoped3A = tpu.sem_alloc : memref<!tpu.dma_semaphore, #tpu.memory_space<semaphore_mem>>
      %dma_start3A_38 = tpu.memref_slice %arg4[%add3A_26] : memref<320000xi32, #tpu.memory_space<hbm>> -> memref<16xi32, #tpu.memory_space<hbm>>
      %dma_start3A_39 = tpu.memref_slice %arg4[%add3A_26] : memref<320000xi32, #tpu.memory_space<hbm>> -> memref<16xi32, #tpu.memory_space<hbm>>
      tpu.enqueue_dma source(%dma_start3A_39 : memref<16xi32, #tpu.memory_space<hbm>>) target(%arg12 : memref<16xi32, #tpu.memory_space<vmem>>) target_semaphore(%run_scoped3A : memref<!tpu.dma_semaphore, #tpu.memory_space<semaphore_mem>>)
      %dma_wait3A_40 = tpu.memref_slice %arg4[%add3A_26] : memref<320000xi32, #tpu.memory_space<hbm>> -> memref<16xi32, #tpu.memory_space<hbm>>
      %dma_wait3A_41 = tpu.memref_slice %arg4[%add3A_26] : memref<320000xi32, #tpu.memory_space<hbm>> -> memref<16xi32, #tpu.memory_space<hbm>>
      tpu.wait_dma2 semaphore(%run_scoped3A : memref<!tpu.dma_semaphore, #tpu.memory_space<semaphore_mem>>) src(%dma_wait3A_41 : memref<16xi32, #tpu.memory_space<hbm>>) dst(%arg12 : memref<16xi32, #tpu.memory_space<vmem>>)
      tpu.yield
    }) : () -> ()
    %dma_start3A_27 = arith.constant 9984 : i32
    %dma_start3A_28 = tpu.memref_slice %arg7[%dma_start3A_27] : memref<10000xi32, #tpu.memory_space<vmem>> -> memref<16xi32, #tpu.memory_space<vmem>>
    %dma_start3A_29 = arith.constant 0 : i32
    %dma_start3A_30 = arith.constant 0 : i32
    %dma_start3A_31 = tpu.memref_slice %arg2[%dma_start3A_29, %dma_start3A_30] : memref<10000x128xf32, #tpu.memory_space<hbm>> -> memref<10000x128xf32, #tpu.memory_space<hbm>>
    tpu.enqueue_indirect_dma source(%dma_start3A_31 : memref<10000x128xf32, #tpu.memory_space<hbm>>) target(%arg17 : memref<16x128xf32, #tpu.memory_space<vmem>>) offsets(%dma_start3A_28 : memref<16xi32, #tpu.memory_space<vmem>>) semaphore(%arg19 : memref<!tpu.dma_semaphore, #tpu.memory_space<semaphore_mem>>)
    %dma_wait3A_32 = arith.constant 9984 : i32
    %dma_wait3A_33 = tpu.memref_slice %arg7[%dma_wait3A_32] : memref<10000xi32, #tpu.memory_space<vmem>> -> memref<16xi32, #tpu.memory_space<vmem>>
    %dma_wait3A_34 = arith.constant 0 : i32
    %dma_wait3A_35 = arith.constant 0 : i32
    %dma_wait3A_36 = tpu.memref_slice %arg2[%dma_wait3A_34, %dma_wait3A_35] : memref<10000x128xf32, #tpu.memory_space<hbm>> -> memref<10000x128xf32, #tpu.memory_space<hbm>>
    tpu.wait_indirect_dma semaphore(%arg19 : memref<!tpu.dma_semaphore, #tpu.memory_space<semaphore_mem>>) src(%dma_wait3A_36 : memref<10000x128xf32, #tpu.memory_space<hbm>>) dst(%arg17 : memref<16x128xf32, #tpu.memory_space<vmem>>)
    "tpu.region"() ({
      %run_scoped3A = tpu.sem_alloc : memref<!tpu.dma_semaphore, #tpu.memory_space<semaphore_mem>>
      %dma_start3A_38 = arith.constant 0 : i32
      %dma_start3A_39 = arith.constant 0 : i32
      %dma_start3A_40 = tpu.memref_slice %arg18[%dma_start3A_38, %dma_start3A_39] : memref<10240x128xf32, #tpu.memory_space<vmem_shared>> -> memref<10240x128xf32, #tpu.memory_space<vmem_shared>>
      tpu.enqueue_indirect_dma source(%arg17 : memref<16x128xf32, #tpu.memory_space<vmem>>) target(%dma_start3A_40 : memref<10240x128xf32, #tpu.memory_space<vmem_shared>>) offsets(%arg12 : memref<16xi32, #tpu.memory_space<vmem>>) semaphore(%run_scoped3A : memref<!tpu.dma_semaphore, #tpu.memory_space<semaphore_mem>>) {add = true}
      %dma_wait3A_41 = arith.constant 0 : i32
      %dma_wait3A_42 = arith.constant 0 : i32
      %dma_wait3A_43 = tpu.memref_slice %arg18[%dma_wait3A_41, %dma_wait3A_42] : memref<10240x128xf32, #tpu.memory_space<vmem_shared>> -> memref<10240x128xf32, #tpu.memory_space<vmem_shared>>
      tpu.wait_indirect_dma semaphore(%run_scoped3A : memref<!tpu.dma_semaphore, #tpu.memory_space<semaphore_mem>>) src(%arg17 : memref<16x128xf32, #tpu.memory_space<vmem>>) dst(%dma_wait3A_43 : memref<10240x128xf32, #tpu.memory_space<vmem_shared>>)
      tpu.yield
    }) : () -> ()
    %barrier3A_37 = arith.constant 0 : index
    tpu.barrier barrier_id(%barrier3A_37)
    "tpu.region"() ({
      %run_scoped3A = tpu.sem_alloc : memref<!tpu.dma_semaphore, #tpu.memory_space<semaphore_mem>>
      %dma_start3A_38 = arith.constant 0 : i32
      %dma_start3A_39 = tpu.memref_slice %arg6[%arg0, %mul3A_2, %dma_start3A_38] : memref<2x10240x128xf32, #tpu.memory_space<hbm>> -> memref<1x640x128xf32, #tpu.memory_space<hbm>>
      %dma_start3A_40 = tpu.memref_squeeze %dma_start3A_39 : memref<1x640x128xf32, #tpu.memory_space<hbm>> -> memref<640x128xf32, #tpu.memory_space<hbm>>
      %dma_start3A_41 = arith.constant 0 : i32
      %dma_start3A_42 = tpu.memref_slice %arg18[%mul3A_2, %dma_start3A_41] : memref<10240x128xf32, #tpu.memory_space<vmem_shared>> -> memref<640x128xf32, #tpu.memory_space<vmem_shared>>
      tpu.enqueue_dma source(%dma_start3A_42 : memref<640x128xf32, #tpu.memory_space<vmem_shared>>) target(%dma_start3A_40 : memref<640x128xf32, #tpu.memory_space<hbm>>) target_semaphore(%run_scoped3A : memref<!tpu.dma_semaphore, #tpu.memory_space<semaphore_mem>>)
      %dma_wait3A_43 = arith.constant 0 : i32
      %dma_wait3A_44 = tpu.memref_slice %arg6[%arg0, %mul3A_2, %dma_wait3A_43] : memref<2x10240x128xf32, #tpu.memory_space<hbm>> -> memref<1x640x128xf32, #tpu.memory_space<hbm>>
      %dma_wait3A_45 = tpu.memref_squeeze %dma_wait3A_44 : memref<1x640x128xf32, #tpu.memory_space<hbm>> -> memref<640x128xf32, #tpu.memory_space<hbm>>
      %dma_wait3A_46 = arith.constant 0 : i32
      %dma_wait3A_47 = tpu.memref_slice %arg18[%mul3A_2, %dma_wait3A_46] : memref<10240x128xf32, #tpu.memory_space<vmem_shared>> -> memref<640x128xf32, #tpu.memory_space<vmem_shared>>
      tpu.wait_dma2 semaphore(%run_scoped3A : memref<!tpu.dma_semaphore, #tpu.memory_space<semaphore_mem>>) src(%dma_wait3A_47 : memref<640x128xf32, #tpu.memory_space<vmem_shared>>) dst(%dma_wait3A_45 : memref<640x128xf32, #tpu.memory_space<hbm>>)
      tpu.yield
    }) : () -> ()
    return
  }
}

module attributes {stable_mosaic.version = 14 : i64} {
  func.func @_t1_body(%arg0: i32, %arg1: memref<2x5000x1xf32, #tpu.memory_space<vmem>>, %arg2: memref<5000x128xf32, #tpu.memory_space<vmem>>, %arg3: memref<5000x128xf32, #tpu.memory_space<vmem>>) attributes {dimension_semantics = [#tpu.dimension_semantics<arbitrary>], iteration_bounds = array<i64: 2>, scalar_prefetch = 0 : i64, scratch_operands = 0 : i64, tpu.core_type = #tpu.core_type<tc>, window_params = [{transform_indices = @transform_0, window_bounds = array<i64: 2, 5000, 1>}, {transform_indices = @transform_1, window_bounds = array<i64: 5000, 128>}, {transform_indices = @transform_2, window_bounds = array<i64: 5000, 128>}]} {
    %get3A = arith.constant 0 : index
    %get3A_0 = arith.constant 0 : index
    %get3A_1 = arith.constant 0 : index
    %get3A_2 = vector.load %arg1[%get3A, %get3A_0, %get3A_1] : memref<2x5000x1xf32, #tpu.memory_space<vmem>>, vector<1x5000x1xf32>
    %get3A_3 = vector.shape_cast %get3A_2 : vector<1x5000x1xf32> to vector<5000x1xf32>
    %get3A_4 = arith.constant 1 : index
    %get3A_5 = arith.constant 0 : index
    %get3A_6 = arith.constant 0 : index
    %get3A_7 = vector.load %arg1[%get3A_4, %get3A_5, %get3A_6] : memref<2x5000x1xf32, #tpu.memory_space<vmem>>, vector<1x5000x1xf32>
    %get3A_8 = vector.shape_cast %get3A_7 : vector<1x5000x1xf32> to vector<5000x1xf32>
    %add3A = arith.addf %get3A_3, %get3A_8 : vector<5000x1xf32>
    %max3A = arith.constant 1.000000e+00 : f32
    %max3A_9 = vector.broadcast %max3A : f32 to vector<5000x1xf32>
    %max3A_10 = arith.maximumf %add3A, %max3A_9 : vector<5000x1xf32>
    %rsqrt3A = math.rsqrt %max3A_10 : vector<5000x1xf32>
    %get3A_11 = arith.constant 0 : index
    %get3A_12 = arith.constant 0 : index
    %get3A_13 = vector.load %arg2[%get3A_11, %get3A_12] : memref<5000x128xf32, #tpu.memory_space<vmem>>, vector<5000x128xf32>
    %mul3A = vector.broadcast %rsqrt3A : vector<5000x1xf32> to vector<5000x128xf32>
    %mul3A_14 = arith.mulf %get3A_13, %mul3A : vector<5000x128xf32>
    %swap3A = arith.constant 0 : index
    %swap3A_15 = arith.constant 0 : index
    %swap3A_16 = vector.load %arg3[%swap3A, %swap3A_15] : memref<5000x128xf32, #tpu.memory_space<vmem>>, vector<5000x128xf32>
    tpu.vector_store %arg3[%swap3A, %swap3A_15], %mul3A_14 {strides = array<i32>} : memref<5000x128xf32, #tpu.memory_space<vmem>>, vector<5000x128xf32>,
    return
  }
  func.func @transform_0(%arg0: i32) -> (i32, i32, i32) {
    %c0_i32 = arith.constant 0 : i32
    %c0_i32_0 = arith.constant 0 : i32
    %c0_i32_1 = arith.constant 0 : i32
    return %c0_i32, %arg0, %c0_i32_0 : i32, i32, i32
  }
  func.func @transform_1(%arg0: i32) -> (i32, i32) {
    %c0_i32 = arith.constant 0 : i32
    %c0_i32_0 = arith.constant 0 : i32
    return %arg0, %c0_i32 : i32, i32
  }
  func.func @transform_2(%arg0: i32) -> (i32, i32) {
    %c0_i32 = arith.constant 0 : i32
    %c0_i32_0 = arith.constant 0 : i32
    return %arg0, %c0_i32 : i32, i32
  }
}

module attributes {stable_mosaic.version = 14 : i64} {
  func.func @_t2_body(%arg0: i32, %arg1: memref<2x5000x1xf32, #tpu.memory_space<vmem>>, %arg2: memref<2x5000x128xf32, #tpu.memory_space<vmem>>, %arg3: memref<5000x128xf32, #tpu.memory_space<vmem>>, %arg4: memref<128x128xf32, #tpu.memory_space<vmem>>, %arg5: memref<128x128xf32, #tpu.memory_space<vmem>>, %arg6: memref<128x128xf32, #tpu.memory_space<vmem>>, %arg7: memref<1x128xf32, #tpu.memory_space<vmem>>, %arg8: memref<5000x128xf32, #tpu.memory_space<vmem>>, %arg9: memref<5000x128xf32, #tpu.memory_space<vmem>>) attributes {dimension_semantics = [#tpu.dimension_semantics<arbitrary>], iteration_bounds = array<i64: 2>, scalar_prefetch = 0 : i64, scratch_operands = 0 : i64, tpu.core_type = #tpu.core_type<tc>, window_params = [{transform_indices = @transform_0, window_bounds = array<i64: 2, 5000, 1>}, {transform_indices = @transform_1, window_bounds = array<i64: 2, 5000, 128>}, {transform_indices = @transform_2, window_bounds = array<i64: 5000, 128>}, {pipeline_mode = #tpu.pipeline_mode<synchronous>, transform_indices = @transform_3, window_bounds = array<i64: 128, 128>}, {pipeline_mode = #tpu.pipeline_mode<synchronous>, transform_indices = @transform_4, window_bounds = array<i64: 128, 128>}, {pipeline_mode = #tpu.pipeline_mode<synchronous>, transform_indices = @transform_5, window_bounds = array<i64: 128, 128>}, {pipeline_mode = #tpu.pipeline_mode<synchronous>, transform_indices = @transform_6, window_bounds = array<i64: 1, 128>}, {transform_indices = @transform_7, window_bounds = array<i64: 5000, 128>}, {transform_indices = @transform_8, window_bounds = array<i64: 5000, 128>}]} {
    %get3A = arith.constant 0 : index
    %get3A_0 = arith.constant 0 : index
    %get3A_1 = arith.constant 0 : index
    %get3A_2 = vector.load %arg1[%get3A, %get3A_0, %get3A_1] : memref<2x5000x1xf32, #tpu.memory_space<vmem>>, vector<1x5000x1xf32>
    %get3A_3 = vector.shape_cast %get3A_2 : vector<1x5000x1xf32> to vector<5000x1xf32>
    %get3A_4 = arith.constant 1 : index
    %get3A_5 = arith.constant 0 : index
    %get3A_6 = arith.constant 0 : index
    %get3A_7 = vector.load %arg1[%get3A_4, %get3A_5, %get3A_6] : memref<2x5000x1xf32, #tpu.memory_space<vmem>>, vector<1x5000x1xf32>
    %get3A_8 = vector.shape_cast %get3A_7 : vector<1x5000x1xf32> to vector<5000x1xf32>
    %add3A = arith.addf %get3A_3, %get3A_8 : vector<5000x1xf32>
    %max3A = arith.constant 1.000000e+00 : f32
    %max3A_9 = vector.broadcast %max3A : f32 to vector<5000x1xf32>
    %max3A_10 = arith.maximumf %add3A, %max3A_9 : vector<5000x1xf32>
    %rsqrt3A = math.rsqrt %max3A_10 : vector<5000x1xf32>
    %get3A_11 = arith.constant 0 : index
    %get3A_12 = arith.constant 0 : index
    %get3A_13 = arith.constant 0 : index
    %get3A_14 = vector.load %arg2[%get3A_11, %get3A_12, %get3A_13] : memref<2x5000x128xf32, #tpu.memory_space<vmem>>, vector<1x5000x128xf32>
    %get3A_15 = vector.shape_cast %get3A_14 : vector<1x5000x128xf32> to vector<5000x128xf32>
    %get3A_16 = arith.constant 1 : index
    %get3A_17 = arith.constant 0 : index
    %get3A_18 = arith.constant 0 : index
    %get3A_19 = vector.load %arg2[%get3A_16, %get3A_17, %get3A_18] : memref<2x5000x128xf32, #tpu.memory_space<vmem>>, vector<1x5000x128xf32>
    %get3A_20 = vector.shape_cast %get3A_19 : vector<1x5000x128xf32> to vector<5000x128xf32>
    %add3A_21 = arith.addf %get3A_15, %get3A_20 : vector<5000x128xf32>
    %mul3A = vector.broadcast %rsqrt3A : vector<5000x1xf32> to vector<5000x128xf32>
    %mul3A_22 = arith.mulf %add3A_21, %mul3A : vector<5000x128xf32>
    %neg3A = arith.constant 0.000000e+00 : f32
    %neg3A_23 = vector.broadcast %neg3A : f32 to vector<5000x128xf32>
    %neg3A_24 = arith.subf %neg3A_23, %mul3A_22 : vector<5000x128xf32>
    %mul3A_25 = vector.broadcast %rsqrt3A : vector<5000x1xf32> to vector<5000x128xf32>
    %mul3A_26 = arith.mulf %neg3A_24, %mul3A_25 : vector<5000x128xf32>
    %swap3A = arith.constant 0 : index
    %swap3A_27 = arith.constant 0 : index
    %swap3A_28 = vector.load %arg8[%swap3A, %swap3A_27] : memref<5000x128xf32, #tpu.memory_space<vmem>>, vector<5000x128xf32>
    tpu.vector_store %arg8[%swap3A, %swap3A_27], %mul3A_26 {strides = array<i32>} : memref<5000x128xf32, #tpu.memory_space<vmem>>, vector<5000x128xf32>,
    %get3A_29 = arith.constant 0 : index
    %get3A_30 = arith.constant 0 : index
    %get3A_31 = vector.load %arg4[%get3A_29, %get3A_30] : memref<128x128xf32, #tpu.memory_space<vmem>>, vector<128x128xf32>
    %get3A_32 = arith.constant 0 : index
    %get3A_33 = arith.constant 0 : index
    %get3A_34 = vector.load %arg6[%get3A_32, %get3A_33] : memref<128x128xf32, #tpu.memory_space<vmem>>, vector<128x128xf32>
    %sub3A = arith.subf %get3A_31, %get3A_34 : vector<128x128xf32>
    %get3A_35 = arith.constant 0 : index
    %get3A_36 = arith.constant 0 : index
    %get3A_37 = vector.load %arg3[%get3A_35, %get3A_36] : memref<5000x128xf32, #tpu.memory_space<vmem>>, vector<5000x128xf32>
    %dot_general3A = arith.constant dense<0.000000e+00> : vector<5000x128xf32>
    %dot_general3A_38 = tpu.matmul %get3A_37, %sub3A, %dot_general3A {dimension_numbers = #tpu.dot_dimension_numbers<[1], [0], [0], [1], [0, 0, 1, 1], [], []>, transpose_lhs_hint = false} : vector<5000x128xf32>, vector<128x128xf32>, vector<5000x128xf32> -> vector<5000x128xf32>
    %get3A_39 = arith.constant 0 : index
    %get3A_40 = arith.constant 0 : index
    %get3A_41 = vector.load %arg5[%get3A_39, %get3A_40] : memref<128x128xf32, #tpu.memory_space<vmem>>, vector<128x128xf32>
    %dot_general3A_42 = arith.constant dense<0.000000e+00> : vector<5000x128xf32>
    %dot_general3A_43 = tpu.matmul %neg3A_24, %get3A_41, %dot_general3A_42 {dimension_numbers = #tpu.dot_dimension_numbers<[1], [0], [0], [1], [0, 0, 1, 1], [], []>, transpose_lhs_hint = false} : vector<5000x128xf32>, vector<128x128xf32>, vector<5000x128xf32> -> vector<5000x128xf32>
    %add3A_44 = arith.addf %dot_general3A_38, %dot_general3A_43 : vector<5000x128xf32>
    %get3A_45 = arith.constant 0 : index
    %get3A_46 = arith.constant 0 : index
    %get3A_47 = vector.load %arg7[%get3A_45, %get3A_46] : memref<1x128xf32, #tpu.memory_space<vmem>>, vector<1x128xf32>
    %add3A_48 = vector.broadcast %get3A_47 : vector<1x128xf32> to vector<5000x128xf32>
    %add3A_49 = arith.addf %add3A_44, %add3A_48 : vector<5000x128xf32>
    %swap3A_50 = arith.constant 0 : index
    %swap3A_51 = arith.constant 0 : index
    %swap3A_52 = vector.load %arg9[%swap3A_50, %swap3A_51] : memref<5000x128xf32, #tpu.memory_space<vmem>>, vector<5000x128xf32>
    tpu.vector_store %arg9[%swap3A_50, %swap3A_51], %add3A_49 {strides = array<i32>} : memref<5000x128xf32, #tpu.memory_space<vmem>>, vector<5000x128xf32>,
    return
  }
  func.func @transform_0(%arg0: i32) -> (i32, i32, i32) {
    %c0_i32 = arith.constant 0 : i32
    %c0_i32_0 = arith.constant 0 : i32
    %c0_i32_1 = arith.constant 0 : i32
    return %c0_i32, %arg0, %c0_i32_0 : i32, i32, i32
  }
  func.func @transform_1(%arg0: i32) -> (i32, i32, i32) {
    %c0_i32 = arith.constant 0 : i32
    %c0_i32_0 = arith.constant 0 : i32
    %c0_i32_1 = arith.constant 0 : i32
    return %c0_i32, %arg0, %c0_i32_0 : i32, i32, i32
  }
  func.func @transform_2(%arg0: i32) -> (i32, i32) {
    %c0_i32 = arith.constant 0 : i32
    %c0_i32_0 = arith.constant 0 : i32
    return %arg0, %c0_i32 : i32, i32
  }
  func.func @transform_3(%arg0: i32) -> (i32, i32) {
    %c0_i32 = arith.constant 0 : i32
    %c0_i32_0 = arith.constant 0 : i32
    %c0_i32_1 = arith.constant 0 : i32
    return %c0_i32, %c0_i32_0 : i32, i32
  }
  func.func @transform_4(%arg0: i32) -> (i32, i32) {
    %c0_i32 = arith.constant 0 : i32
    %c0_i32_0 = arith.constant 0 : i32
    %c0_i32_1 = arith.constant 0 : i32
    return %c0_i32, %c0_i32_0 : i32, i32
  }
  func.func @transform_5(%arg0: i32) -> (i32, i32) {
    %c0_i32 = arith.constant 0 : i32
    %c0_i32_0 = arith.constant 0 : i32
    %c0_i32_1 = arith.constant 0 : i32
    return %c0_i32, %c0_i32_0 : i32, i32
  }
  func.func @transform_6(%arg0: i32) -> (i32, i32) {
    %c0_i32 = arith.constant 0 : i32
    %c0_i32_0 = arith.constant 0 : i32
    %c0_i32_1 = arith.constant 0 : i32
    return %c0_i32, %c0_i32_0 : i32, i32
  }
  func.func @transform_7(%arg0: i32) -> (i32, i32) {
    %c0_i32 = arith.constant 0 : i32
    %c0_i32_0 = arith.constant 0 : i32
    return %arg0, %c0_i32 : i32, i32
  }
  func.func @transform_8(%arg0: i32) -> (i32, i32) {
    %c0_i32 = arith.constant 0 : i32
    %c0_i32_0 = arith.constant 0 : i32
    return %arg0, %c0_i32 : i32, i32
  }
}

module attributes {stable_mosaic.version = 14 : i64} {
  func.func @_t3_body(%arg0: i32, %arg1: memref<2x5000x1xf32, #tpu.memory_space<vmem>>, %arg2: memref<2x5000x128xf32, #tpu.memory_space<vmem>>, %arg3: memref<5000x128xf32, #tpu.memory_space<vmem>>, %arg4: memref<128x128xf32, #tpu.memory_space<vmem>>, %arg5: memref<5000x128xf32, #tpu.memory_space<vmem>>) attributes {dimension_semantics = [#tpu.dimension_semantics<arbitrary>], iteration_bounds = array<i64: 2>, scalar_prefetch = 0 : i64, scratch_operands = 0 : i64, tpu.core_type = #tpu.core_type<tc>, window_params = [{transform_indices = @transform_0, window_bounds = array<i64: 2, 5000, 1>}, {transform_indices = @transform_1, window_bounds = array<i64: 2, 5000, 128>}, {transform_indices = @transform_2, window_bounds = array<i64: 5000, 128>}, {pipeline_mode = #tpu.pipeline_mode<synchronous>, transform_indices = @transform_3, window_bounds = array<i64: 128, 128>}, {transform_indices = @transform_4, window_bounds = array<i64: 5000, 128>}]} {
    %get3A = arith.constant 0 : index
    %get3A_0 = arith.constant 0 : index
    %get3A_1 = arith.constant 0 : index
    %get3A_2 = vector.load %arg1[%get3A, %get3A_0, %get3A_1] : memref<2x5000x1xf32, #tpu.memory_space<vmem>>, vector<1x5000x1xf32>
    %get3A_3 = vector.shape_cast %get3A_2 : vector<1x5000x1xf32> to vector<5000x1xf32>
    %get3A_4 = arith.constant 1 : index
    %get3A_5 = arith.constant 0 : index
    %get3A_6 = arith.constant 0 : index
    %get3A_7 = vector.load %arg1[%get3A_4, %get3A_5, %get3A_6] : memref<2x5000x1xf32, #tpu.memory_space<vmem>>, vector<1x5000x1xf32>
    %get3A_8 = vector.shape_cast %get3A_7 : vector<1x5000x1xf32> to vector<5000x1xf32>
    %add3A = arith.addf %get3A_3, %get3A_8 : vector<5000x1xf32>
    %max3A = arith.constant 1.000000e+00 : f32
    %max3A_9 = vector.broadcast %max3A : f32 to vector<5000x1xf32>
    %max3A_10 = arith.maximumf %add3A, %max3A_9 : vector<5000x1xf32>
    %rsqrt3A = math.rsqrt %max3A_10 : vector<5000x1xf32>
    %get3A_11 = arith.constant 0 : index
    %get3A_12 = arith.constant 0 : index
    %get3A_13 = arith.constant 0 : index
    %get3A_14 = vector.load %arg2[%get3A_11, %get3A_12, %get3A_13] : memref<2x5000x128xf32, #tpu.memory_space<vmem>>, vector<1x5000x128xf32>
    %get3A_15 = vector.shape_cast %get3A_14 : vector<1x5000x128xf32> to vector<5000x128xf32>
    %get3A_16 = arith.constant 1 : index
    %get3A_17 = arith.constant 0 : index
    %get3A_18 = arith.constant 0 : index
    %get3A_19 = vector.load %arg2[%get3A_16, %get3A_17, %get3A_18] : memref<2x5000x128xf32, #tpu.memory_space<vmem>>, vector<1x5000x128xf32>
    %get3A_20 = vector.shape_cast %get3A_19 : vector<1x5000x128xf32> to vector<5000x128xf32>
    %add3A_21 = arith.addf %get3A_15, %get3A_20 : vector<5000x128xf32>
    %mul3A = vector.broadcast %rsqrt3A : vector<5000x1xf32> to vector<5000x128xf32>
    %mul3A_22 = arith.mulf %add3A_21, %mul3A : vector<5000x128xf32>
    %get3A_23 = arith.constant 0 : index
    %get3A_24 = arith.constant 0 : index
    %get3A_25 = vector.load %arg3[%get3A_23, %get3A_24] : memref<5000x128xf32, #tpu.memory_space<vmem>>, vector<5000x128xf32>
    %get3A_26 = arith.constant 0 : index
    %get3A_27 = arith.constant 0 : index
    %get3A_28 = vector.load %arg4[%get3A_26, %get3A_27] : memref<128x128xf32, #tpu.memory_space<vmem>>, vector<128x128xf32>
    %dot_general3A = arith.constant dense<0.000000e+00> : vector<5000x128xf32>
    %dot_general3A_29 = tpu.matmul %mul3A_22, %get3A_28, %dot_general3A {dimension_numbers = #tpu.dot_dimension_numbers<[1], [0], [0], [1], [0, 0, 1, 1], [], []>, transpose_lhs_hint = false} : vector<5000x128xf32>, vector<128x128xf32>, vector<5000x128xf32> -> vector<5000x128xf32>
    %mul3A_30 = arith.constant 2.000000e+00 : f32
    %mul3A_31 = vector.broadcast %mul3A_30 : f32 to vector<5000x128xf32>
    %mul3A_32 = arith.mulf %mul3A_31, %dot_general3A_29 : vector<5000x128xf32>
    %sub3A = arith.subf %get3A_25, %mul3A_32 : vector<5000x128xf32>
    %swap3A = arith.constant 0 : index
    %swap3A_33 = arith.constant 0 : index
    %swap3A_34 = vector.load %arg5[%swap3A, %swap3A_33] : memref<5000x128xf32, #tpu.memory_space<vmem>>, vector<5000x128xf32>
    tpu.vector_store %arg5[%swap3A, %swap3A_33], %sub3A {strides = array<i32>} : memref<5000x128xf32, #tpu.memory_space<vmem>>, vector<5000x128xf32>,
    return
  }
  func.func @transform_0(%arg0: i32) -> (i32, i32, i32) {
    %c0_i32 = arith.constant 0 : i32
    %c0_i32_0 = arith.constant 0 : i32
    %c0_i32_1 = arith.constant 0 : i32
    return %c0_i32, %arg0, %c0_i32_0 : i32, i32, i32
  }
  func.func @transform_1(%arg0: i32) -> (i32, i32, i32) {
    %c0_i32 = arith.constant 0 : i32
    %c0_i32_0 = arith.constant 0 : i32
    %c0_i32_1 = arith.constant 0 : i32
    return %c0_i32, %arg0, %c0_i32_0 : i32, i32, i32
  }
  func.func @transform_2(%arg0: i32) -> (i32, i32) {
    %c0_i32 = arith.constant 0 : i32
    %c0_i32_0 = arith.constant 0 : i32
    return %arg0, %c0_i32 : i32, i32
  }
  func.func @transform_3(%arg0: i32) -> (i32, i32) {
    %c0_i32 = arith.constant 0 : i32
    %c0_i32_0 = arith.constant 0 : i32
    %c0_i32_1 = arith.constant 0 : i32
    return %c0_i32, %c0_i32_0 : i32, i32
  }
  func.func @transform_4(%arg0: i32) -> (i32, i32) {
    %c0_i32 = arith.constant 0 : i32
    %c0_i32_0 = arith.constant 0 : i32
    return %arg0, %c0_i32 : i32, i32
  }
}

</mosaic_0001>

<sc_bundles>
// kernel: kernel.11.cloned.1.call-start
scs
__scs_entry_jumppad:
0x0: {  	(pc) =	sbr.rel $0x88, $3  }
0x1: {  	(tag) =	ssettag $0x0;
	lr =	simm.s32 $0x1  }
0x2: {  	[smem:$0x3F9B] =	sst lr;
	_ =	strace $0xD0000000  }
0x3: {  	_ = 	snop  }
0x4: {  	_ = 	snop  }
0x5: {  	_ = 	snop  }
0x6: {  	_ = 	snop  }
0x7: {  	_ = 	snop  }
__scs_overlays_trampoline_lowered:
0x8: {  	[smem:$0x3FAA] =	sst s0  }
0x9: {  	[smem:$0x3FAB] =	sst s1  }
0xa: {  	[smem:$0x3FAC] =	sst s2  }
0xb: {  	[smem:$0x3FAD] =	sst s3  }
0xc: {  	[smem:$0x3FAE] =	sst s4  }
0xd: {  	[smem:$0x3FAF] =	sst s5  }
0xe: {  	[smem:$0x3FB0] =	sst s6  }
0xf: {  	[smem:$0x3FB1] =	sst s7  }
0x10: {  	[smem:$0x3FB2] =	sst s8  }
0x11: {  	[smem:$0x3FB3] =	sst s9;
	s0 =	simm.s32 @!p0 $0x0  }
0x12: {  	s1 =	sld [smem:$0x3F99];
	s0 =	simm.s32 @p0 $0x1  }
0x13: {  	[smem:$0x3FB4] =	sst s0;
	s0 =	simm.s32 @!p1 $0x0  }
0x14: {  	s2 =	sld [smem:$0x3F98];
	s0 =	simm.s32 @p1 $0x1  }
0x15: {  	[smem:$0x3FB5] =	sst s0;
	s0 =	simm.s32 @!p2 $0x0  }
0x16: {  	s3 =	sld [smem:$0x3FDB];
	s0 =	simm.s32 @p2 $0x1  }
0x17: {  	s4 =	simm.s32 $0x1BF5;
	[smem:$0x3FB7] =	sst s0  }
0x18: {  	s0 =	sld [smem:$0x3F9A];
	_ =	swait.ge [sflag:s4], $0x0  }
0x19: {  	s7 =	sld [smem:$0x3F9B]  }
0x1a: {  	s8 =	sadd.s32 $0xFFFFE003, lr  }
0x1b: {  	s9 =	sadd.s32 $0xFFFFFEF7, lr;
	s5 =	simm.s32 $0xFFFFFFFF;
	p2 =	slt.u32 s8, $0xFFFFF086  }
0x1c: {  	p1 =	slt.u32 s9, $0xF7A;
	s5 =	simm.s32 @!p2 $0x0  }
0x1d: {  	s5 =	simm.s32 @p1 $0x1;
	p0 =	seq.s32 s7, s2  }
0x1e: {  	s7 =	smul.u32 @!p0 $0xF7A, s2;
	p2 =	seq.s32 @!p0 s5, $0x0  }
0x1f: {  	s9 =	smul.u32 $0xF7A, s1;
	s8 =	simm.s32 @!p0 $0x1BF5;
	p2 =	por !p2, p0  }
0x20: {  	[sflag:s8] =	ssyncset.s32 @!p0 $0xFFFFF086;
	s6 =	sadd.s32 @!p0 s3, s7;
	s7 =	simm.s32 @!p0 $0x108  }
0x21: {  	s3 =	sadd.s32 s3, s9;
	s6 =	sadd.s32 @!p0 $0x88, s6;
	s7 =	simm.s32 @p2 $0x1082  }
0x22: {  	[simem:s7], [sflag:s8] =	dma.local @!p0 [hbm:s6], $0xF7A  }
0x23: {  	s9 =	sor.u32 $0xD0000000, s2;
	s6 =	simm.s32 $0x108;
	_ =	swait.ge @!p0 [sflag:s8], $0x0  }
0x24: {  	s3 =	sadd.s32 $0x88, s3;
	s6 =	simm.s32 @!p1 $0x1082;
	[sflag:s4] =	ssyncset.s32 $0xFFFFF086  }
0x25: {  	[simem:s6], [sflag:s4] =	dma.local [hbm:s3], $0xF7A  }
0x26: {  	[smem:$0x3F9B] =	sst s1;
	(tag) =	ssettag s2;
	_ =	strace s9  }
0x27: {  	s1 =	sld [smem:$0x3FAB]  }
0x28: {  	s2 =	sld [smem:$0x3FAC]  }
0x29: {  	s4 =	sld [smem:$0x3FAE]  }
0x2a: {  	p0 =	seq.s32 s5, $0x0;
	s5 =	sld [smem:$0x3FAF]  }
0x2b: {  	s6 =	sld [smem:$0x3FB0]  }
0x2c: {  	s7 =	sld [smem:$0x3FB1]  }
0x2d: {  	s3 =	simm.s32 $0x108;
	s8 =	sld [smem:$0x3FB2]  }
0x2e: {  	s3 =	simm.s32 @!p0 $0x1082;
	s9 =	sld [smem:$0x3FB3]  }
0x2f: {  	lr =	sadd.s32 s0, s3;
	s0 =	sld [smem:$0x3FAA]  }
0x30: {  	s3 =	sld [smem:$0x3FAD]  }
0x31: {  	[smem:$0x3FB6] =	sst s10  }
0x32: {  	s10 =	sld [smem:$0x3FB4];
	_ =	sdelay $0x3  }
0x33: {  	p0 =	seq.s32 s10, $0x1;
	s10 =	sld [smem:$0x3FB6];
	_ =	sdelay $0x3  }
0x34: {  	[smem:$0x3FB6] =	sst s10  }
0x35: {  	s10 =	sld [smem:$0x3FB5];
	_ =	sdelay $0x3  }
0x36: {  	p1 =	seq.s32 s10, $0x1;
	s10 =	sld [smem:$0x3FB6];
	_ =	sdelay $0x3  }
0x37: {  	[smem:$0x3FB6] =	sst s10  }
0x38: {  	s10 =	sld [smem:$0x3FB7]  }
0x39: {  	_ = 	snop;
	(pc) =	sbr.ind lr, $3  }
0x3a: {  	_ = 	snop  }
0x3b: {  	_ = 	snop  }
0x3c: {  	p2 =	seq.s32 s10, $0x1;
	s10 =	sld [smem:$0x3FB6]  }
0x3d: {  	_ =	shalt  }
0x3e: {  	_ =	shalt  }
0x3f: {  	_ =	shalt  }
0x40: {  	_ =	shalt  }
0x41: {  	_ =	shalt  }
0x42: {  	_ =	shalt  }
0x43: {  	_ =	shalt  }
0x44: {  	_ =	shalt  }
0x45: {  	_ =	shalt  }
0x46: {  	_ =	shalt  }
0x47: {  	_ =	shalt  }
0x48: {  	_ =	shalt  }
0x49: {  	_ =	shalt  }
0x4a: {  	_ =	shalt  }
0x4b: {  	_ =	shalt  }
0x4c: {  	_ =	shalt  }
0x4d: {  	_ =	shalt  }
0x4e: {  	_ =	shalt  }
0x4f: {  	_ =	shalt  }
0x50: {  	_ =	shalt  }
0x51: {  	_ =	shalt  }
0x52: {  	_ =	shalt  }
0x53: {  	_ =	shalt  }
0x54: {  	_ =	shalt  }
0x55: {  	_ =	shalt  }
0x56: {  	_ =	shalt  }
0x57: {  	_ =	shalt  }
0x58: {  	_ =	shalt  }
0x59: {  	_ =	shalt  }
0x5a: {  	_ =	shalt  }
0x5b: {  	_ =	shalt  }
0x5c: {  	_ =	shalt  }
0x5d: {  	_ =	shalt  }
0x5e: {  	_ =	shalt  }
0x5f: {  	_ =	shalt  }
0x60: {  	_ =	shalt  }
0x61: {  	_ =	shalt  }
0x62: {  	_ =	shalt  }
0x63: {  	_ =	shalt  }
0x64: {  	_ =	shalt  }
0x65: {  	_ =	shalt  }
0x66: {  	_ =	shalt  }
0x67: {  	_ =	shalt  }
0x68: {  	_ =	shalt  }
0x69: {  	_ =	shalt  }
0x6a: {  	_ =	shalt  }
0x6b: {  	_ =	shalt  }
0x6c: {  	_ =	shalt  }
0x6d: {  	_ =	shalt  }
0x6e: {  	_ =	shalt  }
0x6f: {  	_ =	shalt  }
0x70: {  	_ =	shalt  }
0x71: {  	_ =	shalt  }
0x72: {  	_ =	shalt  }
0x73: {  	_ =	shalt  }
0x74: {  	_ =	shalt  }
0x75: {  	_ =	shalt  }
0x76: {  	_ =	shalt  }
0x77: {  	_ =	shalt  }
0x78: {  	_ =	shalt  }
0x79: {  	_ =	shalt  }
0x7a: {  	_ =	shalt  }
0x7b: {  	_ =	shalt  }
0x7c: {  	_ =	shalt  }
0x7d: {  	_ =	shalt  }
0x7e: {  	_ =	shalt  }
0x7f: {  	_ =	shalt  }
0x80: {  	_ =	shalt  }
0x81: {  	_ =	shalt  }
0x82: {  	_ =	shalt  }
0x83: {  	_ =	shalt  }
0x84: {  	_ =	shalt  }
0x85: {  	_ =	shalt  }
0x86: {  	_ =	shalt  }
0x87: {  	_ =	shalt  }
.Lfunc_end0:
.L_simem_size_0:
called_computation.1_lowered:
.L_overlay_start_0:
0x88: {  	s2 =	sld [smem:$0x3FD9]  }
0x89: {  	s3 =	sld [smem:$0x3FFE];
	_ =	sdelay $0x1  }
0x8a: {  	s1 =	srdreg.scid  }
0x8b: {  	s0 =	sand.u32 $0x1, s1  }
0x8c: {  	s17 =	sshll.u32 s0, $0xA;
	s2 =	sadd.s32 s3, s2  }
0x8d: {  	s2 =	sadd.s32 s2, s17  }
0x8e: {  	[smem:$0x3FC2] =	sst s2  }
0x8f: {  	_ = 	snop  }
0x90: {  	s2 =	sld [smem:$0x3FD0];
	(tm) =	ssettm $0x1  }
0x91: {  	s18 =	sld [smem:$0x3FFB];
	_ =	sdelay $0x3  }
0x92: {  	_ =	strace s18  }
0x93: {  	s3 =	sld [smem:$0x3FFC];
	_ =	sdelay $0x3  }
0x94: {  	_ =	strace s3  }
0x95: {  	s3 =	sld [smem:$0x3FFD];
	_ =	sdelay $0x3  }
0x96: {  	_ =	strace s3  }
0x97: {  	_ =	strace $0x8FFFFFFF  }
0x98: {  	s19 =	sld [smem:$0x3FDB];
	_ =	sdelay $0x1  }
0x99: {  	s4 =	simm.s32 $_scs_section_size  }
0x9a: {  	s5 =	simm.s32 $_size__tile_overlayer_lowered;
	s6 =	simm.s32 $_tile_overlayer_lowered  }
0x9b: {  	s22 =	simm.s32 $0x1BFF;
	s21 =	sshll.u32 s6, $0x1;
	s3 =	sadd.s32 s4, s19  }
0x9c: {  	s7 =	simm.s32 $0x0;
	s20 =	sshll.u32 s5, $0x1;
	s5 =	sadd.s32 s21, s3  }
0x9d: {  	[timem:s7], [sflag:s22] =	dma.local [hbm:s5], s20  }
0x9e: {  	_ =	swait.ge [sflag:s22], s20  }
0x9f: {  	s4 =	ssub.s32 $0x0, s20;
	[sflag:s22] =	ssyncset.done $0x0  }
0xa0: {  	[sflag:s22] =	ssyncadd.s32 s4;
	_ =	sdelay $0x1  }
0xa1: {  	s23 =	simm.s32 $0x1B8B  }
0xa2: {  	_ =	swait.ge [sflag:s23], $0x1  }
0xa3: {  	[sflag:s23] =	ssyncset.done $0x0  }
0xa4: {  	s25 =	simm.s32 $0x1B8E;
	s24 =	sld [smem:$0x3FFE];
	[sflag:s23] =	ssyncadd.s32 $0xFFFFFFFF  }
0xa5: {  	s26 =	simm.s32 $execute0_lowered;
	[smem:$0x3FD2] =	sst s25  }
0xa6: {  	s5 =	sshll.u32 s26, $0x1;
	_ =	strace $0x80000049;
	[dreg:$0x1] =	wrdreg $0xFFFFFFFF  }
0xa7: {  	s28 =	simm.s32 $_size_execute0_lowered;
	s3 =	sadd.s32 s3, s5;
	[dreg:$0x0] =	wrdreg $0x0  }
0xa8: {  	s5 =	sshll.u32 s28, $0x1;
	[dreg:$0x2] =	wrdreg s3  }
0xa9: {  	[dreg:$0x3] =	wrdreg s5  }
0xaa: {  	[dreg:$0x4] =	wrdreg $0xC0  }
0xab: {  	_ =	task [dreg:s7], $0x5FFFF  }
0xac: {  	[dreg:$0x1] =	wrdreg $0xFFFFFFFF  }
0xad: {  	[dreg:$0x0] =	wrdreg $0x60  }
0xae: {  	[dreg:$0x2] =	wrdreg s2  }
0xaf: {  	[dreg:$0x3] =	wrdreg s24  }
0xb0: {  	[dreg:$0x4] =	wrdreg $0xB2000  }
0xb1: {  	[dreg:$0x5] =	wrdreg $0x9  }
0xb2: {  	_ =	task.clear_ibuf [dreg:s7], $0x6FFFF;
	_ =	strace $0x90000049  }
0xb3: {  	s29 =	simm.s32 $0x9;
	_ =	strace $0x8000004B  }
0xb4: {  	_ =	swait.ge [sflag:s29], $0x1  }
0xb5: {  	[sflag:s29] =	ssyncadd.s32 $0xFFFFFFFF  }
0xb6: {  	_ =	strace $0x9000004B  }
0xb7: {  	_ =	sfence  }
0xb8: {  	s30 =	sld [smem:$0x0];
	_ =	sdelay $0x2  }
0xb9: {  	s31 =	sshll.u32 s1, $0xD;
	s1 =	sshrl.u32 s1, $0x2  }
0xba: {  	s3 =	sand.u32 $0x4000, s31;
	s1 =	sadd.s32 s1, s30  }
0xbb: {  	s0 =	sor.u32 s3, s0;
	s1 =	sshll.u32 s1, $0x11  }
0xbc: {  	s0 =	sor.u32 s1, s0  }
0xbd: {  	s0 =	sadd.s32 $0x8F2B, s0  }
0xbe: {  	[sflag:s0] =	ssyncadd.remote.s32 $0x1  }
0xbf: {  	_ =	sfence.sel $0xFFFF  }
0xc0: {  	[dreg:$0x0] =	wrdreg $0xFFFFFFFF;
	(pc) =	sbr.abs _section_cstart, $3  }
0xc1: {  	[dreg:$0x1] =	wrdreg $0xFFFFFFFF  }
0xc2: {  	_ =	task.clear_ibuf [dreg:s7], $0x2FFFF;
	_ =	strace $0x9FFFFFFF  }
0xc3: {  	(tm) =	ssettm $0x7FFFFFFF  }
tec
execute0_lowered:
.L_overlay_start_1:
0x0: {  	(tag) =	ssettag $0x1  }
0x1: {  	s1 =	rddreg [dreg:$0x0]  }
0x2: {  	s0 =	srdreg.scid;
	s2 =	rddreg [dreg:$0x1]  }
0x3: {  	s13 =	stileid.u32;
	s3 =	rddreg [dreg:$0x2];
	s28 =	simm.s32 $0xB  }
0x4: {  	s29 =	simm.s32 $0x3;
	s30 =	simm.s32 $0xC;
	s6 =	smul.u32 $0x14000, s13  }
0x5: {  	s31 =	simm.s32 $0x4;
	s0 =	sand.u32 $0x1, s0;
	s12 =	smul.u32 $0x50000, s13  }
0x6: {  	s9 =	sadd.s32 $0xC000, s2;
	s25 =	smul.u32 $0x2710, s13;
	s14 =	sshll.u32 s13, $0x6  }
0x7: {  	s4 =	sshll.u32 s0, $0x4;
	s7 =	smul.u32 $0x140000, s0;
	s21 =	ssub.s32 $0x2, s0  }
0x8: {  	s0 =	smul.u32 $0x27100, s0;
	s5 =	sor.u32 s13, s4;
	s4 =	simm.s32 $0x0  }
0x9: {  	s10 =	sshrl.u32 s6, $0x3;
	s11 =	sshrl.u32 s21, $0x1;
	s24 =	sshrl.u32 s12, $0x2  }
0xa: {  	s5 =	smul.u32 $0x2710, s5;
	[smem:$0x7FF] =	sst s4;
	s10 =	sadd.s32 s10, s2  }
0xb: {  	s6 =	sadd.s32 s6, s7;
	s22 =	ssub.s32 s21, s11;
	s26 =	sadd.s32 s24, s3  }
0xc: {  	s0 =	sadd.s32 s25, s0;
	s24 =	simm.s32 $0x2A00;
	s25 =	simm.s32 $0x2880  }
0xd: {  	_ =	strace $0x8000004A;
	s6 =	sshrl.u32 s6, $0x3;
	s12 =	sadd.s32 $0x65E00, s10  }
0xe: {  	s16 =	sadd.s32 $0x80, s0;
	s19 =	smax.u32 s22, $0x1;
	s20 =	sadd.s32 $0x40, s0  }
0xf: {  	s21 =	sshrl.u32 s0, $0x3;
	s0 =	sadd.s32 $0xC0, s0;
	[dreg:$0x6] =	wrdreg s24  }
0x10: {  	[dreg:$0x7] =	wrdreg s25;
	s24 =	simm.s32 $0x9;
	s25 =	simm.s32 $0xA  }
0x11: {  	s5 =	sshrl.u32 s5, $0x3;
	[dreg:$0xa] =	wrdreg s12;
	s18 =	sshrl.u32 s16, $0x3  }
0x12: {  	[dreg:$0xe] =	wrdreg s19;
	s22 =	sadd.s32 s21, s9;
	s0 =	sshrl.u32 s0, $0x3  }
0x13: {  	s8 =	sadd.s32 s5, s2;
	[dreg:$0x11] =	wrdreg s22;
	s0 =	sadd.s32 s0, s9  }
0x14: {  	s7 =	sadd.s32 s9, s5;
	s23 =	sadd.s32 $0x2200, s8;
	[dreg:$0x12] =	wrdreg s0  }
0x15: {  	s19 =	simm.s32 $0x2800;
	s15 =	sadd.s32 $0x10, s7;
	[dreg:$0x9] =	wrdreg s23  }
0x16: {  	s2 =	sadd.s32 s6, s2;
	s17 =	sadd.s32 $0x4E0, s7;
	[dreg:$0x4] =	wrdreg s15  }
0x17: {  	s21 =	simm.s32 $0x4A00;
	s2 =	sadd.s32 $0x8DE00, s2;
	[dreg:$0xc] =	wrdreg s17  }
0x18: {  	s5 =	simm.s32 $0xD;
	s8 =	sor.u32 $0x1C0D, s14;
	[dreg:$0xd] =	wrdreg s2  }
0x19: {  	s22 =	simm.s32 $0x2900;
	s2 =	sadd.s32 s18, s9;
	[dreg:$0xb] =	wrdreg s8  }
0x1a: {  	s23 =	simm.s32 $0x2780;
	[dreg:$0xf] =	wrdreg s2;
	s2 =	sshrl.u32 s20, $0x3  }
0x1b: {  	s18 =	simm.s32 $0x1;
	[dreg:$0x5] =	wrdreg s23;
	s2 =	sadd.s32 s2, s9  }
0x1c: {  	[dreg:$0x10] =	wrdreg s2;
	s2 =	sshrl.u32 s26, $0x3;
	s26 =	simm.s32 $0x6A00  }
0x1d: {  	s20 =	simm.s32 $0x40;
	s23 =	simm.s32 $0x8A00;
	[dreg:$0x8] =	wrdreg s26  }
0x1e: {  	s9 =	simm.s32 $0x0;
	s26 =	simm.s32 $0x2;
	[dreg:$0x13] =	wrdreg s2  }
.LBB2_1:
0x1f: {  	s0 =	rddreg [dreg:$0x9]  }
0x20: {  	s17 =	rddreg [dreg:$0xa]  }
0x21: {  	[tilespmem:s4], [sflag:$0x1] =	stream.linear.gather [hbm4b:s0+s4], $0x2710, $0x38;
	[tilespmem:$0x1F200] =	vst v63  }
0x22: {  	[spmem:s2], [sflag:s8] =	dma.local [hbm:s17], $0x2800  }
0x23: {  	_ =	swait.ge [sflag:s5], $0x2800  }
0x24: {  	[sflag:s5] =	ssyncset.done $0x0  }
0x25: {  	[sflag:s5] =	ssyncadd.s32 $0xFFFFD800  }
0x26: {  	_ =	swait.ge [sflag:s18], $0x2710  }
0x27: {  	p0 =	por $0x1, $0x1;
	[sflag:s18] =	ssyncset.done $0x0  }
0x28: {  	s0 =	simm.s32 @p0 $0x0;
	[sflag:s18] =	ssyncadd.s32 $0xFFFFD8F0  }
0x29: {  	s10 =	simm.s32 @!p0 $0x5;
	s2 =	simm.s32 @p0 $0x2780;
	[bflag:$0x0] =	sbarrier.arrive $0xFFFF  }
0x2a: {  	[tilespmem:s2], [sflag:$0x9] =	stream.linear.gather @p0 [hbm4b:s7+s0], $0x40, $0x38;
	[tilespmem:$0x1F200] =	vst v63  }
0x2b: {  	s11 =	simm.s32 @p0 $0x40;
	s12 =	simm.s32 @p0 $0x2A00;
	s2 =	simm.s32 @p0 $0x0  }
0x2c: {  	[tilespmem:s12], [sflag:$0x1] =	stream.indirect.gather @p0 [hbm4b:s1+s11], $0x80, s2, s11, $0xb8;
	[tilespmem:$0x1F200] =	vst v63  }
0x2d: {  	_ =	swait.ge @!p0 [sflag:s10], $0x2000  }
0x2e: {  	s2 =	simm.s32 @!p0 $0x0;
	[sflag:s10] =	ssyncset.done @!p0 $0x0  }
0x2f: {  	s13 =	rddreg [dreg:$0x11];
	[sflag:s10] =	ssyncadd.s32 @!p0 $0xFFFFE000;
	s10 =	simm.s32 @!p0 $0x2780  }
0x30: {  	[tilespmem:s10], [sflag:$0x9] =	stream.linear.gather @!p0 [hbm4b:s13+s2], $0x40, $0x38;
	[tilespmem:$0x1F200] =	vst v63  }
0x31: {  	s6 =	simm.s32 @!p0 $0x2A00;
	s12 =	simm.s32 @!p0 $0x40;
	s10 =	simm.s32 @!p0 $0x0  }
0x32: {  	[tilespmem:s6], [sflag:$0x1] =	stream.indirect.gather @!p0 [hbm4b:s1+s12], $0x80, s10, s12, $0xb8;
	[tilespmem:$0x1F200] =	vst v63  }
0x33: {  	s6 =	simm.s32 @!p0 $0x6  }
0x34: {  	_ =	swait.ge @!p0 [sflag:s6], $0x2000  }
0x35: {  	[sflag:s6] =	ssyncset.done @!p0 $0x0  }
0x36: {  	s8 =	rddreg [dreg:$0x10];
	[sflag:s6] =	ssyncadd.s32 @!p0 $0xFFFFE000  }
0x37: {  	[tilespmem:s19], [sflag:$0xA] =	stream.linear.gather [hbm4b:s8+s4], $0x40, $0x38;
	[tilespmem:$0x1F200] =	vst v63  }
0x38: {  	s5 =	simm.s32 $0x40  }
0x39: {  	[tilespmem:s21], [sflag:$0x2] =	stream.indirect.gather [hbm4b:s1+s20], $0x80, s5, s20, $0xb8;
	[tilespmem:$0x1F200] =	vst v63  }
0x3a: {  	s10 =	rddreg [dreg:$0x4];
	s6 =	simm.s32 @p0 $0x2880  }
0x3b: {  	[tilespmem:s6], [sflag:$0xB] =	stream.linear.gather @p0 [hbm4b:s10+s0], $0x40, $0x38;
	[tilespmem:$0x1F200] =	vst v63  }
0x3c: {  	s0 =	simm.s32 @p0 $0x80;
	s6 =	simm.s32 @p0 $0x6A00  }
0x3d: {  	[tilespmem:s6], [sflag:$0x3] =	stream.indirect.gather @p0 [hbm4b:s1+s11], $0x80, s0, s11, $0xb8;
	[tilespmem:$0x1F200] =	vst v63  }
0x3e: {  	s0 =	simm.s32 @!p0 $0x7  }
0x3f: {  	_ =	swait.ge @!p0 [sflag:s0], $0x2000  }
0x40: {  	[sflag:s0] =	ssyncset.done @!p0 $0x0  }
0x41: {  	s5 =	rddreg [dreg:$0xf];
	[sflag:s0] =	ssyncadd.s32 @!p0 $0xFFFFE000;
	s0 =	simm.s32 @!p0 $0x2880  }
0x42: {  	[tilespmem:s0], [sflag:$0xB] =	stream.linear.gather @!p0 [hbm4b:s5+s2], $0x40, $0x38;
	[tilespmem:$0x1F200] =	vst v63  }
0x43: {  	s6 =	simm.s32 @!p0 $0x8;
	s0 =	simm.s32 @!p0 $0x80;
	s2 =	simm.s32 @!p0 $0x6A00  }
0x44: {  	[tilespmem:s2], [sflag:$0x3] =	stream.indirect.gather @!p0 [hbm4b:s1+s12], $0x80, s0, s12, $0xb8;
	[tilespmem:$0x1F200] =	vst v63  }
0x45: {  	_ =	swait.ge @!p0 [sflag:s6], $0x2000  }
0x46: {  	[sflag:s6] =	ssyncset.done @!p0 $0x0  }
0x47: {  	s11 =	rddreg [dreg:$0x12];
	[sflag:s6] =	ssyncadd.s32 @!p0 $0xFFFFE000  }
0x48: {  	[tilespmem:s22], [sflag:$0xC] =	stream.linear.gather [hbm4b:s11+s4], $0x40, $0x38;
	[tilespmem:$0x1F200] =	vst v63  }
0x49: {  	s12 =	simm.s32 $0xC0  }
0x4a: {  	[tilespmem:s23], [sflag:$0x4] =	stream.indirect.gather [hbm4b:s1+s20], $0x80, s12, s20, $0xb8;
	[tilespmem:$0x1F200] =	vst v63  }
0x4b: {  	_ =	swait.ge [sflag:s24], $0x40  }
0x4c: {  	[sflag:s24] =	ssyncset.done $0x0  }
0x4d: {  	[sflag:s24] =	ssyncadd.s32 $0xFFFFFFC0  }
0x4e: {  	_ =	swait.ge [sflag:s18], $0x2000  }
0x4f: {  	s14 =	rddreg [dreg:$0x5];
	[sflag:s18] =	ssyncset.done $0x0  }
0x50: {  	s15 =	rddreg [dreg:$0x6];
	[sflag:s18] =	ssyncadd.s32 $0xFFFFE000  }
0x51: {  	[spmem:s3] =	stream.indirect.scatter.add.f32 [tilespmem:s15], [sflag:$0x5], $0x80, s14, s20, $0xb8;
	[tilespmem:$0x1F200] =	vst v63  }
0x52: {  	_ =	swait.ge [sflag:s25], $0x40  }
0x53: {  	[sflag:s25] =	ssyncset.done $0x0  }
0x54: {  	[sflag:s25] =	ssyncadd.s32 $0xFFFFFFC0  }
0x55: {  	_ =	swait.ge [sflag:s26], $0x2000  }
0x56: {  	[sflag:s26] =	ssyncset.done $0x0  }
0x57: {  	[sflag:s26] =	ssyncadd.s32 $0xFFFFE000  }
0x58: {  	[spmem:s3] =	stream.indirect.scatter.add.f32 [tilespmem:s21], [sflag:$0x6], $0x80, s19, s20, $0xb8;
	[tilespmem:$0x1F200] =	vst v63  }
0x59: {  	_ =	swait.ge [sflag:s28], $0x40  }
0x5a: {  	[sflag:s28] =	ssyncset.done $0x0  }
0x5b: {  	[sflag:s28] =	ssyncadd.s32 $0xFFFFFFC0  }
0x5c: {  	_ =	swait.ge [sflag:s29], $0x2000  }
0x5d: {  	s16 =	rddreg [dreg:$0x7];
	[sflag:s29] =	ssyncset.done $0x0  }
0x5e: {  	s17 =	rddreg [dreg:$0x8];
	[sflag:s29] =	ssyncadd.s32 $0xFFFFE000  }
0x5f: {  	[spmem:s3] =	stream.indirect.scatter.add.f32 [tilespmem:s17], [sflag:$0x7], $0x80, s16, s20, $0xb8;
	[tilespmem:$0x1F200] =	vst v63  }
0x60: {  	_ =	swait.ge [sflag:s30], $0x40  }
0x61: {  	s10 =	simm.s32 $0x400;
	[sflag:s30] =	ssyncset.done $0x0  }
0x62: {  	s2 =	sadd.s32 $0x20, s8;
	s0 =	sadd.s32 $0x20, s13;
	[sflag:s30] =	ssyncadd.s32 $0xFFFFFFC0  }
0x63: {  	s11 =	sadd.s32 $0x20, s11;
	s12 =	smov.u32 s5;
	_ =	swait.ge [sflag:s31], $0x2000  }
.LBB2_2:
0x64: {  	[sflag:s31] =	ssyncset.done $0x0;
	s6 =	smov.u32 s10  }
0x65: {  	p1 =	seq.s32 s6, $0x0;
	[sflag:s31] =	ssyncadd.s32 $0xFFFFE000  }
0x66: {  	[spmem:s3] =	stream.indirect.scatter.add.f32 [tilespmem:s23], [sflag:$0x8], $0x80, s22, s20, $0xb8;
	[tilespmem:$0x1F200] =	vst v63  }
0x67: {  	s8 =	simm.s32 @p1 $0x0;
	s5 =	simm.s32 @p1 $0x2780;
	s13 =	simm.s32 @!p1 $0x5  }
0x68: {  	[tilespmem:s5], [sflag:$0x9] =	stream.linear.gather @p1 [hbm4b:s7+s8], $0x40, $0x38;
	[tilespmem:$0x1F200] =	vst v63  }
0x69: {  	s14 =	simm.s32 @p1 $0x40;
	s15 =	simm.s32 @p1 $0x2A00;
	s5 =	sshra.s32 @p1 s6, $0x2  }
0x6a: {  	[tilespmem:s15], [sflag:$0x1] =	stream.indirect.gather @p1 [hbm4b:s1+s14], $0x80, s5, s14, $0xb8;
	[tilespmem:$0x1F200] =	vst v63  }
0x6b: {  	_ =	swait.ge @!p1 [sflag:s13], $0x2000  }
0x6c: {  	s16 =	simm.s32 @!p1 $0x40;
	[sflag:s13] =	ssyncset.done @!p1 $0x0  }
0x6d: {  	s15 =	simm.s32 @!p1 $0x2780;
	[sflag:s13] =	ssyncadd.s32 @!p1 $0xFFFFE000;
	s13 =	simm.s32 @!p1 $0x0  }
0x6e: {  	[tilespmem:s15], [sflag:$0x9] =	stream.linear.gather @!p1 [hbm4b:s0+s13], $0x40, $0x38;
	[tilespmem:$0x1F200] =	vst v63  }
0x6f: {  	s17 =	simm.s32 @!p1 $0x2A00;
	s5 =	simm.s32 @!p1 $0x6;
	s15 =	sshra.s32 @!p1 s6, $0x2  }
0x70: {  	[tilespmem:s17], [sflag:$0x1] =	stream.indirect.gather @!p1 [hbm4b:s1+s16], $0x80, s15, s16, $0xb8;
	[tilespmem:$0x1F200] =	vst v63  }
0x71: {  	_ =	swait.ge @!p1 [sflag:s5], $0x2000  }
0x72: {  	[sflag:s5] =	ssyncset.done @!p1 $0x0  }
0x73: {  	[sflag:s5] =	ssyncadd.s32 @!p1 $0xFFFFE000;
	s5 =	sshra.s32 s6, $0x2  }
0x74: {  	[tilespmem:s19], [sflag:$0xA] =	stream.linear.gather [hbm4b:s2+s4], $0x40, $0x38;
	[tilespmem:$0x1F200] =	vst v63  }
0x75: {  	s6 =	sadd.s32 $0x40, s5  }
0x76: {  	[tilespmem:s21], [sflag:$0x2] =	stream.indirect.gather [hbm4b:s1+s20], $0x80, s6, s20, $0xb8;
	[tilespmem:$0x1F200] =	vst v63  }
0x77: {  	s17 =	rddreg [dreg:$0x4];
	s6 =	simm.s32 @p1 $0x2880  }
0x78: {  	[tilespmem:s6], [sflag:$0xB] =	stream.linear.gather @p1 [hbm4b:s17+s8], $0x40, $0x38;
	[tilespmem:$0x1F200] =	vst v63  }
0x79: {  	s6 =	simm.s32 @p1 $0x80;
	s8 =	simm.s32 @p1 $0x6A00;
	s17 =	simm.s32 @!p1 $0x7  }
0x7a: {  	[tilespmem:s8], [sflag:$0x3] =	stream.indirect.gather @p1 [hbm4b:s1+s14], $0x80, s6, s14, $0xb8;
	[tilespmem:$0x1F200] =	vst v63  }
0x7b: {  	_ =	swait.ge @!p1 [sflag:s17], $0x2000  }
0x7c: {  	[sflag:s17] =	ssyncset.done @!p1 $0x0  }
0x7d: {  	s12 =	sadd.s32 $0x20, s12;
	s6 =	simm.s32 @!p1 $0x2880;
	[sflag:s17] =	ssyncadd.s32 @!p1 $0xFFFFE000  }
0x7e: {  	[tilespmem:s6], [sflag:$0xB] =	stream.linear.gather @!p1 [hbm4b:s12+s13], $0x40, $0x38;
	[tilespmem:$0x1F200] =	vst v63  }
0x7f: {  	s15 =	sadd.s32 @!p1 $0x80, s15;
	s8 =	simm.s32 @!p1 $0x8;
	s6 =	simm.s32 @!p1 $0x6A00  }
0x80: {  	[tilespmem:s6], [sflag:$0x3] =	stream.indirect.gather @!p1 [hbm4b:s1+s16], $0x80, s15, s16, $0xb8;
	[tilespmem:$0x1F200] =	vst v63  }
0x81: {  	_ =	swait.ge @!p1 [sflag:s8], $0x2000  }
0x82: {  	[sflag:s8] =	ssyncset.done @!p1 $0x0  }
0x83: {  	[sflag:s8] =	ssyncadd.s32 @!p1 $0xFFFFE000  }
0x84: {  	[tilespmem:s22], [sflag:$0xC] =	stream.linear.gather [hbm4b:s11+s4], $0x40, $0x38;
	[tilespmem:$0x1F200] =	vst v63  }
0x85: {  	s5 =	sadd.s32 $0xC0, s5  }
0x86: {  	[tilespmem:s23], [sflag:$0x4] =	stream.indirect.gather [hbm4b:s1+s20], $0x80, s5, s20, $0xb8;
	[tilespmem:$0x1F200] =	vst v63  }
0x87: {  	_ =	swait.ge [sflag:s24], $0x40  }
0x88: {  	[sflag:s24] =	ssyncset.done $0x0  }
0x89: {  	[sflag:s24] =	ssyncadd.s32 $0xFFFFFFC0  }
0x8a: {  	_ =	swait.ge [sflag:s18], $0x2000  }
0x8b: {  	s14 =	rddreg [dreg:$0x5];
	[sflag:s18] =	ssyncset.done $0x0  }
0x8c: {  	s15 =	rddreg [dreg:$0x6];
	[sflag:s18] =	ssyncadd.s32 $0xFFFFE000  }
0x8d: {  	[spmem:s3] =	stream.indirect.scatter.add.f32 [tilespmem:s15], [sflag:$0x5], $0x80, s14, s20, $0xb8;
	[tilespmem:$0x1F200] =	vst v63  }
0x8e: {  	_ =	swait.ge [sflag:s25], $0x40  }
0x8f: {  	[sflag:s25] =	ssyncset.done $0x0  }
0x90: {  	[sflag:s25] =	ssyncadd.s32 $0xFFFFFFC0  }
0x91: {  	_ =	swait.ge [sflag:s26], $0x2000  }
0x92: {  	[sflag:s26] =	ssyncset.done $0x0  }
0x93: {  	[sflag:s26] =	ssyncadd.s32 $0xFFFFE000  }
0x94: {  	[spmem:s3] =	stream.indirect.scatter.add.f32 [tilespmem:s21], [sflag:$0x6], $0x80, s19, s20, $0xb8;
	[tilespmem:$0x1F200] =	vst v63  }
0x95: {  	_ =	swait.ge [sflag:s28], $0x40  }
0x96: {  	[sflag:s28] =	ssyncset.done $0x0  }
0x97: {  	[sflag:s28] =	ssyncadd.s32 $0xFFFFFFC0  }
0x98: {  	_ =	swait.ge [sflag:s29], $0x2000  }
0x99: {  	s10 =	sadd.s32 $0x400, s10;
	[sflag:s29] =	ssyncset.done $0x0;
	s16 =	rddreg [dreg:$0x7]  }
0x9a: {  	p0 =	sne.s32 s10, $0x9C00;
	s17 =	rddreg [dreg:$0x8];
	[sflag:s29] =	ssyncadd.s32 $0xFFFFE000  }
0x9b: {  	[spmem:s3] =	stream.indirect.scatter.add.f32 [tilespmem:s17], [sflag:$0x7], $0x80, s16, s20, $0xb8;
	[tilespmem:$0x1F200] =	vst v63  }
.Ltmp0:
0x9c: {  	_ = 	snop;
	(pc) =	sbr.rel @p0 .LBB2_2-.Ltmp0, $4  }
0x9d: {  	_ =	swait.ge [sflag:s30], $0x40  }
0x9e: {  	[sflag:s30] =	ssyncset.done $0x0  }
0x9f: {  	s0 =	sadd.s32 $0x20, s0;
	[sflag:s30] =	ssyncadd.s32 $0xFFFFFFC0  }
0xa0: {  	s2 =	sadd.s32 $0x20, s2;
	s11 =	sadd.s32 $0x20, s11;
	_ =	swait.ge [sflag:s31], $0x2000  }
0xa1: {  	[sflag:s31] =	ssyncset.done $0x0  }
0xa2: {  	s0 =	simm.s32 $0x5;
	[sflag:s31] =	ssyncadd.s32 $0xFFFFE000  }
0xa3: {  	[spmem:s3] =	stream.indirect.scatter.add.f32 [tilespmem:s23], [sflag:$0x8], $0x80, s22, s20, $0xb8;
	[tilespmem:$0x1F200] =	vst v63  }
0xa4: {  	_ =	swait.ge [sflag:s0], $0x2000  }
0xa5: {  	[sflag:s0] =	ssyncset.done $0x0  }
0xa6: {  	s11 =	simm.s32 $0x6;
	[sflag:s0] =	ssyncadd.s32 $0xFFFFE000  }
0xa7: {  	_ =	swait.ge [sflag:s11], $0x2000  }
0xa8: {  	[sflag:s11] =	ssyncset.done $0x0  }
0xa9: {  	s12 =	simm.s32 $0x7;
	[sflag:s11] =	ssyncadd.s32 $0xFFFFE000  }
0xaa: {  	_ =	swait.ge [sflag:s12], $0x2000  }
0xab: {  	[sflag:s12] =	ssyncset.done $0x0  }
0xac: {  	s13 =	simm.s32 $0x8;
	[sflag:s12] =	ssyncadd.s32 $0xFFFFE000  }
0xad: {  	_ =	swait.ge [sflag:s13], $0x2000  }
0xae: {  	s2 =	simm.s32 $0x2980;
	[sflag:s13] =	ssyncset.done $0x0  }
0xaf: {  	s5 =	simm.s32 $0xD;
	s14 =	rddreg [dreg:$0xc];
	[sflag:s13] =	ssyncadd.s32 $0xFFFFE000  }
0xb0: {  	[tilespmem:s2], [sflag:$0xD] =	stream.linear.gather [hbm4b:s14+s4], $0x10, $0x38;
	[tilespmem:$0x1F200] =	vst v63  }
0xb1: {  	_ =	swait.ge [sflag:s5], $0x10  }
0xb2: {  	s15 =	simm.s32 $0x10;
	[sflag:s5] =	ssyncset.done $0x0  }
0xb3: {  	s6 =	simm.s32 $0x2700;
	s8 =	simm.s32 $0xAA00;
	[sflag:s5] =	ssyncadd.s32 $0xFFFFFFF0  }
0xb4: {  	[tilespmem:s8], [sflag:$0x1] =	stream.indirect.gather [hbm4b:s1+s15], $0x80, s6, s15, $0xb8;
	[tilespmem:$0x1F200] =	vst v63  }
0xb5: {  	_ =	swait.ge [sflag:s18], $0x800  }
0xb6: {  	[sflag:s18] =	ssyncset.done $0x0  }
0xb7: {  	[sflag:s18] =	ssyncadd.s32 $0xFFFFF800  }
0xb8: {  	[spmem:s3] =	stream.indirect.scatter.add.f32 [tilespmem:s8], [sflag:$0xD], $0x80, s2, s15, $0xb8;
	[tilespmem:$0x1F200] =	vst v63  }
0xb9: {  	_ =	swait.ge [sflag:s5], $0x800  }
0xba: {  	[sflag:s5] =	ssyncset.done $0x0  }
0xbb: {  	[sflag:s5] =	ssyncadd.s32 $0xFFFFF800  }
0xbc: {  	[bflag:$0x0] =	sbarrier.arrive $0xFFFF  }
0xbd: {  	s8 =	rddreg [dreg:$0xb]  }
0xbe: {  	s16 =	rddreg [dreg:$0xd]  }
0xbf: {  	s2 =	rddreg [dreg:$0x13]  }
0xc0: {  	[hbm:s16], [sflag:s8] =	dma.local [spmem:s2], $0x2800  }
0xc1: {  	_ =	swait.ge [sflag:s5], $0x2800  }
0xc2: {  	s9 =	sadd.s32 $0x1, s9;
	s17 =	rddreg [dreg:$0xe]  }
0xc3: {  	p0 =	sne.s32 s9, s17  }
.Ltmp1:
0xc4: {  	_ = 	snop;
	(pc) =	sbr.rel @p0 .LBB2_1-.Ltmp1, $3  }
0xc5: {  	_ =	sdelay $0x1  }
0xc6: {  	[sflag:s5] =	ssyncset.done $0x0  }
0xc7: {  	[sflag:s5] =	ssyncadd.s32 $0xFFFFD800  }
0xc8: {  	_ =	sfence.sel $0x180000  }
0xc9: {  	[bflag:$0x0] =	sbarrier.arrive $0xFFFF  }
0xca: {  	_ =	strace $0x9000004A  }
0xcb: {  	s0 =	stileid.u32;
	[bflag:$0x2] =	sbarrier.arrive $0xFFFF  }
0xcc: {  	p0 =	sne.s32 s0, $0x0;
	s0 =	rddreg [dreg:$0x3]  }
0xcd: {  	s0 =	sadd.s32 @!p0 $0x100000, s0  }
0xce: {  	[sflag:s0] =	ssyncadd.tile.s32 @!p0 $0x1;
	_ =	shalt  }
.Lfunc_end2:
_tile_overlayer_lowered:
.L_overlay_start_2:
0xcf: {  	(tag) =	ssettag $0x2  }
0xd0: {  	s0 =	rddreg [dreg:$0x0];
	s2 =	stileid.u32  }
0xd1: {  	s1 =	rddreg [dreg:$0x1];
	p0 =	sne.s32 s2, $0x0  }
0xd2: {  	s3 =	rddreg [dreg:$0x2];
	[bflag:$0x3] =	sbarrier.arrive $0xFFFF;
	s2 =	simm.s32 @!p0 $0x1C0D  }
0xd3: {  	[timem:s3], [sflag:s2] =	dma.local @!p0 [hbm:s0], s1  }
0xd4: {  	s0 =	simm.s32 @!p0 $0xD  }
0xd5: {  	_ =	swait.ge @!p0 [sflag:s0], s1  }
0xd6: {  	s1 =	ssub.s32 @!p0 $0x0, s1;
	[sflag:s0] =	ssyncset.done @!p0 $0x0  }
0xd7: {  	[sflag:s0] =	ssyncadd.s32 @!p0 s1  }
0xd8: {  	[bflag:$0x3] =	sbarrier.arrive $0xFFFF  }
0xd9: {  	_ =	shalt  }

// kernel: kernel.14.cloned.1.call-start
scs
__scs_entry_jumppad:
0x0: {  	(pc) =	sbr.rel $0x88, $3  }
0x1: {  	(tag) =	ssettag $0x0;
	lr =	simm.s32 $0x1  }
0x2: {  	[smem:$0x3F9B] =	sst lr;
	_ =	strace $0xD0000000  }
0x3: {  	_ = 	snop  }
0x4: {  	_ = 	snop  }
0x5: {  	_ = 	snop  }
0x6: {  	_ = 	snop  }
0x7: {  	_ = 	snop  }
__scs_overlays_trampoline_lowered:
0x8: {  	[smem:$0x3FAA] =	sst s0  }
0x9: {  	[smem:$0x3FAB] =	sst s1  }
0xa: {  	[smem:$0x3FAC] =	sst s2  }
0xb: {  	[smem:$0x3FAD] =	sst s3  }
0xc: {  	[smem:$0x3FAE] =	sst s4  }
0xd: {  	[smem:$0x3FAF] =	sst s5  }
0xe: {  	[smem:$0x3FB0] =	sst s6  }
0xf: {  	[smem:$0x3FB1] =	sst s7  }
0x10: {  	[smem:$0x3FB2] =	sst s8  }
0x11: {  	[smem:$0x3FB3] =	sst s9;
	s0 =	simm.s32 @!p0 $0x0  }
0x12: {  	s1 =	sld [smem:$0x3F99];
	s0 =	simm.s32 @p0 $0x1  }
0x13: {  	[smem:$0x3FB4] =	sst s0;
	s0 =	simm.s32 @!p1 $0x0  }
0x14: {  	s2 =	sld [smem:$0x3F98];
	s0 =	simm.s32 @p1 $0x1  }
0x15: {  	[smem:$0x3FB5] =	sst s0;
	s0 =	simm.s32 @!p2 $0x0  }
0x16: {  	s3 =	sld [smem:$0x3FDB];
	s0 =	simm.s32 @p2 $0x1  }
0x17: {  	s4 =	simm.s32 $0x1BF5;
	[smem:$0x3FB7] =	sst s0  }
0x18: {  	s0 =	sld [smem:$0x3F9A];
	_ =	swait.ge [sflag:s4], $0x0  }
0x19: {  	s7 =	sld [smem:$0x3F9B]  }
0x1a: {  	s8 =	sadd.s32 $0xFFFFE003, lr  }
0x1b: {  	s9 =	sadd.s32 $0xFFFFFEF7, lr;
	s5 =	simm.s32 $0xFFFFFFFF;
	p2 =	slt.u32 s8, $0xFFFFF086  }
0x1c: {  	p1 =	slt.u32 s9, $0xF7A;
	s5 =	simm.s32 @!p2 $0x0  }
0x1d: {  	s5 =	simm.s32 @p1 $0x1;
	p0 =	seq.s32 s7, s2  }
0x1e: {  	s7 =	smul.u32 @!p0 $0xF7A, s2;
	p2 =	seq.s32 @!p0 s5, $0x0  }
0x1f: {  	s9 =	smul.u32 $0xF7A, s1;
	s8 =	simm.s32 @!p0 $0x1BF5;
	p2 =	por !p2, p0  }
0x20: {  	[sflag:s8] =	ssyncset.s32 @!p0 $0xFFFFF086;
	s6 =	sadd.s32 @!p0 s3, s7;
	s7 =	simm.s32 @!p0 $0x108  }
0x21: {  	s3 =	sadd.s32 s3, s9;
	s6 =	sadd.s32 @!p0 $0x88, s6;
	s7 =	simm.s32 @p2 $0x1082  }
0x22: {  	[simem:s7], [sflag:s8] =	dma.local @!p0 [hbm:s6], $0xF7A  }
0x23: {  	s9 =	sor.u32 $0xD0000000, s2;
	s6 =	simm.s32 $0x108;
	_ =	swait.ge @!p0 [sflag:s8], $0x0  }
0x24: {  	s3 =	sadd.s32 $0x88, s3;
	s6 =	simm.s32 @!p1 $0x1082;
	[sflag:s4] =	ssyncset.s32 $0xFFFFF086  }
0x25: {  	[simem:s6], [sflag:s4] =	dma.local [hbm:s3], $0xF7A  }
0x26: {  	[smem:$0x3F9B] =	sst s1;
	(tag) =	ssettag s2;
	_ =	strace s9  }
0x27: {  	s1 =	sld [smem:$0x3FAB]  }
0x28: {  	s2 =	sld [smem:$0x3FAC]  }
0x29: {  	s4 =	sld [smem:$0x3FAE]  }
0x2a: {  	p0 =	seq.s32 s5, $0x0;
	s5 =	sld [smem:$0x3FAF]  }
0x2b: {  	s6 =	sld [smem:$0x3FB0]  }
0x2c: {  	s7 =	sld [smem:$0x3FB1]  }
0x2d: {  	s3 =	simm.s32 $0x108;
	s8 =	sld [smem:$0x3FB2]  }
0x2e: {  	s3 =	simm.s32 @!p0 $0x1082;
	s9 =	sld [smem:$0x3FB3]  }
0x2f: {  	lr =	sadd.s32 s0, s3;
	s0 =	sld [smem:$0x3FAA]  }
0x30: {  	s3 =	sld [smem:$0x3FAD]  }
0x31: {  	[smem:$0x3FB6] =	sst s10  }
0x32: {  	s10 =	sld [smem:$0x3FB4];
	_ =	sdelay $0x3  }
0x33: {  	p0 =	seq.s32 s10, $0x1;
	s10 =	sld [smem:$0x3FB6];
	_ =	sdelay $0x3  }
0x34: {  	[smem:$0x3FB6] =	sst s10  }
0x35: {  	s10 =	sld [smem:$0x3FB5];
	_ =	sdelay $0x3  }
0x36: {  	p1 =	seq.s32 s10, $0x1;
	s10 =	sld [smem:$0x3FB6];
	_ =	sdelay $0x3  }
0x37: {  	[smem:$0x3FB6] =	sst s10  }
0x38: {  	s10 =	sld [smem:$0x3FB7]  }
0x39: {  	_ = 	snop;
	(pc) =	sbr.ind lr, $3  }
0x3a: {  	_ = 	snop  }
0x3b: {  	_ = 	snop  }
0x3c: {  	p2 =	seq.s32 s10, $0x1;
	s10 =	sld [smem:$0x3FB6]  }
0x3d: {  	_ =	shalt  }
0x3e: {  	_ =	shalt  }
0x3f: {  	_ =	shalt  }
0x40: {  	_ =	shalt  }
0x41: {  	_ =	shalt  }
0x42: {  	_ =	shalt  }
0x43: {  	_ =	shalt  }
0x44: {  	_ =	shalt  }
0x45: {  	_ =	shalt  }
0x46: {  	_ =	shalt  }
0x47: {  	_ =	shalt  }
0x48: {  	_ =	shalt  }
0x49: {  	_ =	shalt  }
0x4a: {  	_ =	shalt  }
0x4b: {  	_ =	shalt  }
0x4c: {  	_ =	shalt  }
0x4d: {  	_ =	shalt  }
0x4e: {  	_ =	shalt  }
0x4f: {  	_ =	shalt  }
0x50: {  	_ =	shalt  }
0x51: {  	_ =	shalt  }
0x52: {  	_ =	shalt  }
0x53: {  	_ =	shalt  }
0x54: {  	_ =	shalt  }
0x55: {  	_ =	shalt  }
0x56: {  	_ =	shalt  }
0x57: {  	_ =	shalt  }
0x58: {  	_ =	shalt  }
0x59: {  	_ =	shalt  }
0x5a: {  	_ =	shalt  }
0x5b: {  	_ =	shalt  }
0x5c: {  	_ =	shalt  }
0x5d: {  	_ =	shalt  }
0x5e: {  	_ =	shalt  }
0x5f: {  	_ =	shalt  }
0x60: {  	_ =	shalt  }
0x61: {  	_ =	shalt  }
0x62: {  	_ =	shalt  }
0x63: {  	_ =	shalt  }
0x64: {  	_ =	shalt  }
0x65: {  	_ =	shalt  }
0x66: {  	_ =	shalt  }
0x67: {  	_ =	shalt  }
0x68: {  	_ =	shalt  }
0x69: {  	_ =	shalt  }
0x6a: {  	_ =	shalt  }
0x6b: {  	_ =	shalt  }
0x6c: {  	_ =	shalt  }
0x6d: {  	_ =	shalt  }
0x6e: {  	_ =	shalt  }
0x6f: {  	_ =	shalt  }
0x70: {  	_ =	shalt  }
0x71: {  	_ =	shalt  }
0x72: {  	_ =	shalt  }
0x73: {  	_ =	shalt  }
0x74: {  	_ =	shalt  }
0x75: {  	_ =	shalt  }
0x76: {  	_ =	shalt  }
0x77: {  	_ =	shalt  }
0x78: {  	_ =	shalt  }
0x79: {  	_ =	shalt  }
0x7a: {  	_ =	shalt  }
0x7b: {  	_ =	shalt  }
0x7c: {  	_ =	shalt  }
0x7d: {  	_ =	shalt  }
0x7e: {  	_ =	shalt  }
0x7f: {  	_ =	shalt  }
0x80: {  	_ =	shalt  }
0x81: {  	_ =	shalt  }
0x82: {  	_ =	shalt  }
0x83: {  	_ =	shalt  }
0x84: {  	_ =	shalt  }
0x85: {  	_ =	shalt  }
0x86: {  	_ =	shalt  }
0x87: {  	_ =	shalt  }
.Lfunc_end0:
.L_simem_size_0:
called_computation.2_lowered:
.L_overlay_start_0:
0x88: {  	s2 =	sld [smem:$0x3FD9]  }
0x89: {  	s3 =	sld [smem:$0x3FFE];
	_ =	sdelay $0x1  }
0x8a: {  	s1 =	srdreg.scid  }
0x8b: {  	s0 =	sand.u32 $0x1, s1  }
0x8c: {  	s17 =	sshll.u32 s0, $0xA;
	s2 =	sadd.s32 s3, s2  }
0x8d: {  	s2 =	sadd.s32 s2, s17  }
0x8e: {  	[smem:$0x3FC2] =	sst s2  }
0x8f: {  	_ = 	snop  }
0x90: {  	s2 =	sld [smem:$0x3FD0];
	(tm) =	ssettm $0x1  }
0x91: {  	s18 =	sld [smem:$0x3FFB];
	_ =	sdelay $0x3  }
0x92: {  	_ =	strace s18  }
0x93: {  	s3 =	sld [smem:$0x3FFC];
	_ =	sdelay $0x3  }
0x94: {  	_ =	strace s3  }
0x95: {  	s3 =	sld [smem:$0x3FFD];
	_ =	sdelay $0x3  }
0x96: {  	_ =	strace s3  }
0x97: {  	_ =	strace $0x8FFFFFFF  }
0x98: {  	s19 =	sld [smem:$0x3FDB];
	_ =	sdelay $0x1  }
0x99: {  	s4 =	simm.s32 $_scs_section_size  }
0x9a: {  	s5 =	simm.s32 $_size__tile_overlayer_lowered;
	s6 =	simm.s32 $_tile_overlayer_lowered  }
0x9b: {  	s22 =	simm.s32 $0x1BFF;
	s21 =	sshll.u32 s6, $0x1;
	s3 =	sadd.s32 s4, s19  }
0x9c: {  	s7 =	simm.s32 $0x0;
	s20 =	sshll.u32 s5, $0x1;
	s5 =	sadd.s32 s21, s3  }
0x9d: {  	[timem:s7], [sflag:s22] =	dma.local [hbm:s5], s20  }
0x9e: {  	_ =	swait.ge [sflag:s22], s20  }
0x9f: {  	s4 =	ssub.s32 $0x0, s20;
	[sflag:s22] =	ssyncset.done $0x0  }
0xa0: {  	[sflag:s22] =	ssyncadd.s32 s4;
	_ =	sdelay $0x1  }
0xa1: {  	s23 =	simm.s32 $0x1B8B  }
0xa2: {  	_ =	swait.ge [sflag:s23], $0x1  }
0xa3: {  	[sflag:s23] =	ssyncset.done $0x0  }
0xa4: {  	s25 =	simm.s32 $0x1B8E;
	s24 =	sld [smem:$0x3FFE];
	[sflag:s23] =	ssyncadd.s32 $0xFFFFFFFF  }
0xa5: {  	s26 =	simm.s32 $execute0_lowered;
	[smem:$0x3FD2] =	sst s25  }
0xa6: {  	s5 =	sshll.u32 s26, $0x1;
	_ =	strace $0x8000004C;
	[dreg:$0x1] =	wrdreg $0xFFFFFFFF  }
0xa7: {  	s28 =	simm.s32 $_size_execute0_lowered;
	s3 =	sadd.s32 s3, s5;
	[dreg:$0x0] =	wrdreg $0x0  }
0xa8: {  	s5 =	sshll.u32 s28, $0x1;
	[dreg:$0x2] =	wrdreg s3  }
0xa9: {  	[dreg:$0x3] =	wrdreg s5  }
0xaa: {  	[dreg:$0x4] =	wrdreg $0xC0  }
0xab: {  	_ =	task [dreg:s7], $0x5FFFF  }
0xac: {  	[dreg:$0x1] =	wrdreg $0xFFFFFFFF  }
0xad: {  	[dreg:$0x0] =	wrdreg $0x60  }
0xae: {  	[dreg:$0x2] =	wrdreg s2  }
0xaf: {  	[dreg:$0x3] =	wrdreg s24  }
0xb0: {  	[dreg:$0x4] =	wrdreg $0xB2000  }
0xb1: {  	[dreg:$0x5] =	wrdreg $0x9  }
0xb2: {  	_ =	task.clear_ibuf [dreg:s7], $0x6FFFF;
	_ =	strace $0x9000004C  }
0xb3: {  	s29 =	simm.s32 $0x9;
	_ =	strace $0x8000004E  }
0xb4: {  	_ =	swait.ge [sflag:s29], $0x1  }
0xb5: {  	[sflag:s29] =	ssyncadd.s32 $0xFFFFFFFF  }
0xb6: {  	_ =	strace $0x9000004E  }
0xb7: {  	_ =	sfence  }
0xb8: {  	s30 =	sld [smem:$0x0];
	_ =	sdelay $0x2  }
0xb9: {  	s31 =	sshll.u32 s1, $0xD;
	s1 =	sshrl.u32 s1, $0x2  }
0xba: {  	s3 =	sand.u32 $0x4000, s31;
	s1 =	sadd.s32 s1, s30  }
0xbb: {  	s0 =	sor.u32 s3, s0;
	s1 =	sshll.u32 s1, $0x11  }
0xbc: {  	s0 =	sor.u32 s1, s0  }
0xbd: {  	s0 =	sadd.s32 $0x8F2B, s0  }
0xbe: {  	[sflag:s0] =	ssyncadd.remote.s32 $0x1  }
0xbf: {  	_ =	sfence.sel $0xFFFF  }
0xc0: {  	[dreg:$0x0] =	wrdreg $0xFFFFFFFF;
	(pc) =	sbr.abs _section_cstart, $3  }
0xc1: {  	[dreg:$0x1] =	wrdreg $0xFFFFFFFF  }
0xc2: {  	_ =	task.clear_ibuf [dreg:s7], $0x2FFFF;
	_ =	strace $0x9FFFFFFF  }
0xc3: {  	(tm) =	ssettm $0x7FFFFFFF  }
tec
execute0_lowered:
.L_overlay_start_1:
0x0: {  	(tag) =	ssettag $0x1  }
0x1: {  	s1 =	rddreg [dreg:$0x0]  }
0x2: {  	s0 =	srdreg.scid;
	s2 =	rddreg [dreg:$0x1]  }
0x3: {  	s13 =	stileid.u32;
	s3 =	rddreg [dreg:$0x2];
	s28 =	simm.s32 $0xB  }
0x4: {  	s29 =	simm.s32 $0x3;
	s30 =	simm.s32 $0xC;
	s6 =	smul.u32 $0x14000, s13  }
0x5: {  	s31 =	simm.s32 $0x4;
	s0 =	sand.u32 $0x1, s0;
	s12 =	smul.u32 $0x50000, s13  }
0x6: {  	s9 =	sadd.s32 $0xC000, s2;
	s25 =	smul.u32 $0x2710, s13;
	s14 =	sshll.u32 s13, $0x6  }
0x7: {  	s4 =	sshll.u32 s0, $0x4;
	s7 =	smul.u32 $0x140000, s0;
	s21 =	ssub.s32 $0x2, s0  }
0x8: {  	s0 =	smul.u32 $0x27100, s0;
	s5 =	sor.u32 s13, s4;
	s4 =	simm.s32 $0x0  }
0x9: {  	s10 =	sshrl.u32 s6, $0x3;
	s11 =	sshrl.u32 s21, $0x1;
	s24 =	sshrl.u32 s12, $0x2  }
0xa: {  	s5 =	smul.u32 $0x2710, s5;
	[smem:$0x7FF] =	sst s4;
	s10 =	sadd.s32 s10, s2  }
0xb: {  	s6 =	sadd.s32 s6, s7;
	s22 =	ssub.s32 s21, s11;
	s26 =	sadd.s32 s24, s3  }
0xc: {  	s0 =	sadd.s32 s25, s0;
	s24 =	simm.s32 $0x2A00;
	s25 =	simm.s32 $0x2880  }
0xd: {  	_ =	strace $0x8000004D;
	s6 =	sshrl.u32 s6, $0x3;
	s12 =	sadd.s32 $0x65E00, s10  }
0xe: {  	s16 =	sadd.s32 $0x80, s0;
	s19 =	smax.u32 s22, $0x1;
	s20 =	sadd.s32 $0x40, s0  }
0xf: {  	s21 =	sshrl.u32 s0, $0x3;
	s0 =	sadd.s32 $0xC0, s0;
	[dreg:$0x6] =	wrdreg s24  }
0x10: {  	[dreg:$0x7] =	wrdreg s25;
	s24 =	simm.s32 $0x9;
	s25 =	simm.s32 $0xA  }
0x11: {  	s5 =	sshrl.u32 s5, $0x3;
	[dreg:$0xa] =	wrdreg s12;
	s18 =	sshrl.u32 s16, $0x3  }
0x12: {  	[dreg:$0xe] =	wrdreg s19;
	s22 =	sadd.s32 s21, s9;
	s0 =	sshrl.u32 s0, $0x3  }
0x13: {  	s8 =	sadd.s32 s5, s2;
	[dreg:$0x11] =	wrdreg s22;
	s0 =	sadd.s32 s0, s9  }
0x14: {  	s7 =	sadd.s32 s9, s5;
	s23 =	sadd.s32 $0x2200, s8;
	[dreg:$0x12] =	wrdreg s0  }
0x15: {  	s19 =	simm.s32 $0x2800;
	s15 =	sadd.s32 $0x10, s7;
	[dreg:$0x9] =	wrdreg s23  }
0x16: {  	s2 =	sadd.s32 s6, s2;
	s17 =	sadd.s32 $0x4E0, s7;
	[dreg:$0x4] =	wrdreg s15  }
0x17: {  	s21 =	simm.s32 $0x4A00;
	s2 =	sadd.s32 $0x8DE00, s2;
	[dreg:$0xc] =	wrdreg s17  }
0x18: {  	s5 =	simm.s32 $0xD;
	s8 =	sor.u32 $0x1C0D, s14;
	[dreg:$0xd] =	wrdreg s2  }
0x19: {  	s22 =	simm.s32 $0x2900;
	s2 =	sadd.s32 s18, s9;
	[dreg:$0xb] =	wrdreg s8  }
0x1a: {  	s23 =	simm.s32 $0x2780;
	[dreg:$0xf] =	wrdreg s2;
	s2 =	sshrl.u32 s20, $0x3  }
0x1b: {  	s18 =	simm.s32 $0x1;
	[dreg:$0x5] =	wrdreg s23;
	s2 =	sadd.s32 s2, s9  }
0x1c: {  	[dreg:$0x10] =	wrdreg s2;
	s2 =	sshrl.u32 s26, $0x3;
	s26 =	simm.s32 $0x6A00  }
0x1d: {  	s20 =	simm.s32 $0x40;
	s23 =	simm.s32 $0x8A00;
	[dreg:$0x8] =	wrdreg s26  }
0x1e: {  	s9 =	simm.s32 $0x0;
	s26 =	simm.s32 $0x2;
	[dreg:$0x13] =	wrdreg s2  }
.LBB2_1:
0x1f: {  	s0 =	rddreg [dreg:$0x9]  }
0x20: {  	s17 =	rddreg [dreg:$0xa]  }
0x21: {  	[tilespmem:s4], [sflag:$0x1] =	stream.linear.gather [hbm4b:s0+s4], $0x2710, $0x38;
	[tilespmem:$0x1F200] =	vst v63  }
0x22: {  	[spmem:s2], [sflag:s8] =	dma.local [hbm:s17], $0x2800  }
0x23: {  	_ =	swait.ge [sflag:s5], $0x2800  }
0x24: {  	[sflag:s5] =	ssyncset.done $0x0  }
0x25: {  	[sflag:s5] =	ssyncadd.s32 $0xFFFFD800  }
0x26: {  	_ =	swait.ge [sflag:s18], $0x2710  }
0x27: {  	p0 =	por $0x1, $0x1;
	[sflag:s18] =	ssyncset.done $0x0  }
0x28: {  	s0 =	simm.s32 @p0 $0x0;
	[sflag:s18] =	ssyncadd.s32 $0xFFFFD8F0  }
0x29: {  	s10 =	simm.s32 @!p0 $0x5;
	s2 =	simm.s32 @p0 $0x2780;
	[bflag:$0x0] =	sbarrier.arrive $0xFFFF  }
0x2a: {  	[tilespmem:s2], [sflag:$0x9] =	stream.linear.gather @p0 [hbm4b:s7+s0], $0x40, $0x38;
	[tilespmem:$0x1F200] =	vst v63  }
0x2b: {  	s11 =	simm.s32 @p0 $0x40;
	s12 =	simm.s32 @p0 $0x2A00;
	s2 =	simm.s32 @p0 $0x0  }
0x2c: {  	[tilespmem:s12], [sflag:$0x1] =	stream.indirect.gather @p0 [hbm4b:s1+s11], $0x80, s2, s11, $0xb8;
	[tilespmem:$0x1F200] =	vst v63  }
0x2d: {  	_ =	swait.ge @!p0 [sflag:s10], $0x2000  }
0x2e: {  	s2 =	simm.s32 @!p0 $0x0;
	[sflag:s10] =	ssyncset.done @!p0 $0x0  }
0x2f: {  	s13 =	rddreg [dreg:$0x11];
	[sflag:s10] =	ssyncadd.s32 @!p0 $0xFFFFE000;
	s10 =	simm.s32 @!p0 $0x2780  }
0x30: {  	[tilespmem:s10], [sflag:$0x9] =	stream.linear.gather @!p0 [hbm4b:s13+s2], $0x40, $0x38;
	[tilespmem:$0x1F200] =	vst v63  }
0x31: {  	s6 =	simm.s32 @!p0 $0x2A00;
	s12 =	simm.s32 @!p0 $0x40;
	s10 =	simm.s32 @!p0 $0x0  }
0x32: {  	[tilespmem:s6], [sflag:$0x1] =	stream.indirect.gather @!p0 [hbm4b:s1+s12], $0x80, s10, s12, $0xb8;
	[tilespmem:$0x1F200] =	vst v63  }
0x33: {  	s6 =	simm.s32 @!p0 $0x6  }
0x34: {  	_ =	swait.ge @!p0 [sflag:s6], $0x2000  }
0x35: {  	[sflag:s6] =	ssyncset.done @!p0 $0x0  }
0x36: {  	s8 =	rddreg [dreg:$0x10];
	[sflag:s6] =	ssyncadd.s32 @!p0 $0xFFFFE000  }
0x37: {  	[tilespmem:s19], [sflag:$0xA] =	stream.linear.gather [hbm4b:s8+s4], $0x40, $0x38;
	[tilespmem:$0x1F200] =	vst v63  }
0x38: {  	s5 =	simm.s32 $0x40  }
0x39: {  	[tilespmem:s21], [sflag:$0x2] =	stream.indirect.gather [hbm4b:s1+s20], $0x80, s5, s20, $0xb8;
	[tilespmem:$0x1F200] =	vst v63  }
0x3a: {  	s10 =	rddreg [dreg:$0x4];
	s6 =	simm.s32 @p0 $0x2880  }
0x3b: {  	[tilespmem:s6], [sflag:$0xB] =	stream.linear.gather @p0 [hbm4b:s10+s0], $0x40, $0x38;
	[tilespmem:$0x1F200] =	vst v63  }
0x3c: {  	s0 =	simm.s32 @p0 $0x80;
	s6 =	simm.s32 @p0 $0x6A00  }
0x3d: {  	[tilespmem:s6], [sflag:$0x3] =	stream.indirect.gather @p0 [hbm4b:s1+s11], $0x80, s0, s11, $0xb8;
	[tilespmem:$0x1F200] =	vst v63  }
0x3e: {  	s0 =	simm.s32 @!p0 $0x7  }
0x3f: {  	_ =	swait.ge @!p0 [sflag:s0], $0x2000  }
0x40: {  	[sflag:s0] =	ssyncset.done @!p0 $0x0  }
0x41: {  	s5 =	rddreg [dreg:$0xf];
	[sflag:s0] =	ssyncadd.s32 @!p0 $0xFFFFE000;
	s0 =	simm.s32 @!p0 $0x2880  }
0x42: {  	[tilespmem:s0], [sflag:$0xB] =	stream.linear.gather @!p0 [hbm4b:s5+s2], $0x40, $0x38;
	[tilespmem:$0x1F200] =	vst v63  }
0x43: {  	s6 =	simm.s32 @!p0 $0x8;
	s0 =	simm.s32 @!p0 $0x80;
	s2 =	simm.s32 @!p0 $0x6A00  }
0x44: {  	[tilespmem:s2], [sflag:$0x3] =	stream.indirect.gather @!p0 [hbm4b:s1+s12], $0x80, s0, s12, $0xb8;
	[tilespmem:$0x1F200] =	vst v63  }
0x45: {  	_ =	swait.ge @!p0 [sflag:s6], $0x2000  }
0x46: {  	[sflag:s6] =	ssyncset.done @!p0 $0x0  }
0x47: {  	s11 =	rddreg [dreg:$0x12];
	[sflag:s6] =	ssyncadd.s32 @!p0 $0xFFFFE000  }
0x48: {  	[tilespmem:s22], [sflag:$0xC] =	stream.linear.gather [hbm4b:s11+s4], $0x40, $0x38;
	[tilespmem:$0x1F200] =	vst v63  }
0x49: {  	s12 =	simm.s32 $0xC0  }
0x4a: {  	[tilespmem:s23], [sflag:$0x4] =	stream.indirect.gather [hbm4b:s1+s20], $0x80, s12, s20, $0xb8;
	[tilespmem:$0x1F200] =	vst v63  }
0x4b: {  	_ =	swait.ge [sflag:s24], $0x40  }
0x4c: {  	[sflag:s24] =	ssyncset.done $0x0  }
0x4d: {  	[sflag:s24] =	ssyncadd.s32 $0xFFFFFFC0  }
0x4e: {  	_ =	swait.ge [sflag:s18], $0x2000  }
0x4f: {  	s14 =	rddreg [dreg:$0x5];
	[sflag:s18] =	ssyncset.done $0x0  }
0x50: {  	s15 =	rddreg [dreg:$0x6];
	[sflag:s18] =	ssyncadd.s32 $0xFFFFE000  }
0x51: {  	[spmem:s3] =	stream.indirect.scatter.add.f32 [tilespmem:s15], [sflag:$0x5], $0x80, s14, s20, $0xb8;
	[tilespmem:$0x1F200] =	vst v63  }
0x52: {  	_ =	swait.ge [sflag:s25], $0x40  }
0x53: {  	[sflag:s25] =	ssyncset.done $0x0  }
0x54: {  	[sflag:s25] =	ssyncadd.s32 $0xFFFFFFC0  }
0x55: {  	_ =	swait.ge [sflag:s26], $0x2000  }
0x56: {  	[sflag:s26] =	ssyncset.done $0x0  }
0x57: {  	[sflag:s26] =	ssyncadd.s32 $0xFFFFE000  }
0x58: {  	[spmem:s3] =	stream.indirect.scatter.add.f32 [tilespmem:s21], [sflag:$0x6], $0x80, s19, s20, $0xb8;
	[tilespmem:$0x1F200] =	vst v63  }
0x59: {  	_ =	swait.ge [sflag:s28], $0x40  }
0x5a: {  	[sflag:s28] =	ssyncset.done $0x0  }
0x5b: {  	[sflag:s28] =	ssyncadd.s32 $0xFFFFFFC0  }
0x5c: {  	_ =	swait.ge [sflag:s29], $0x2000  }
0x5d: {  	s16 =	rddreg [dreg:$0x7];
	[sflag:s29] =	ssyncset.done $0x0  }
0x5e: {  	s17 =	rddreg [dreg:$0x8];
	[sflag:s29] =	ssyncadd.s32 $0xFFFFE000  }
0x5f: {  	[spmem:s3] =	stream.indirect.scatter.add.f32 [tilespmem:s17], [sflag:$0x7], $0x80, s16, s20, $0xb8;
	[tilespmem:$0x1F200] =	vst v63  }
0x60: {  	_ =	swait.ge [sflag:s30], $0x40  }
0x61: {  	s10 =	simm.s32 $0x400;
	[sflag:s30] =	ssyncset.done $0x0  }
0x62: {  	s2 =	sadd.s32 $0x20, s8;
	s0 =	sadd.s32 $0x20, s13;
	[sflag:s30] =	ssyncadd.s32 $0xFFFFFFC0  }
0x63: {  	s11 =	sadd.s32 $0x20, s11;
	s12 =	smov.u32 s5;
	_ =	swait.ge [sflag:s31], $0x2000  }
.LBB2_2:
0x64: {  	[sflag:s31] =	ssyncset.done $0x0;
	s6 =	smov.u32 s10  }
0x65: {  	p1 =	seq.s32 s6, $0x0;
	[sflag:s31] =	ssyncadd.s32 $0xFFFFE000  }
0x66: {  	[spmem:s3] =	stream.indirect.scatter.add.f32 [tilespmem:s23], [sflag:$0x8], $0x80, s22, s20, $0xb8;
	[tilespmem:$0x1F200] =	vst v63  }
0x67: {  	s8 =	simm.s32 @p1 $0x0;
	s5 =	simm.s32 @p1 $0x2780;
	s13 =	simm.s32 @!p1 $0x5  }
0x68: {  	[tilespmem:s5], [sflag:$0x9] =	stream.linear.gather @p1 [hbm4b:s7+s8], $0x40, $0x38;
	[tilespmem:$0x1F200] =	vst v63  }
0x69: {  	s14 =	simm.s32 @p1 $0x40;
	s15 =	simm.s32 @p1 $0x2A00;
	s5 =	sshra.s32 @p1 s6, $0x2  }
0x6a: {  	[tilespmem:s15], [sflag:$0x1] =	stream.indirect.gather @p1 [hbm4b:s1+s14], $0x80, s5, s14, $0xb8;
	[tilespmem:$0x1F200] =	vst v63  }
0x6b: {  	_ =	swait.ge @!p1 [sflag:s13], $0x2000  }
0x6c: {  	s16 =	simm.s32 @!p1 $0x40;
	[sflag:s13] =	ssyncset.done @!p1 $0x0  }
0x6d: {  	s15 =	simm.s32 @!p1 $0x2780;
	[sflag:s13] =	ssyncadd.s32 @!p1 $0xFFFFE000;
	s13 =	simm.s32 @!p1 $0x0  }
0x6e: {  	[tilespmem:s15], [sflag:$0x9] =	stream.linear.gather @!p1 [hbm4b:s0+s13], $0x40, $0x38;
	[tilespmem:$0x1F200] =	vst v63  }
0x6f: {  	s17 =	simm.s32 @!p1 $0x2A00;
	s5 =	simm.s32 @!p1 $0x6;
	s15 =	sshra.s32 @!p1 s6, $0x2  }
0x70: {  	[tilespmem:s17], [sflag:$0x1] =	stream.indirect.gather @!p1 [hbm4b:s1+s16], $0x80, s15, s16, $0xb8;
	[tilespmem:$0x1F200] =	vst v63  }
0x71: {  	_ =	swait.ge @!p1 [sflag:s5], $0x2000  }
0x72: {  	[sflag:s5] =	ssyncset.done @!p1 $0x0  }
0x73: {  	[sflag:s5] =	ssyncadd.s32 @!p1 $0xFFFFE000;
	s5 =	sshra.s32 s6, $0x2  }
0x74: {  	[tilespmem:s19], [sflag:$0xA] =	stream.linear.gather [hbm4b:s2+s4], $0x40, $0x38;
	[tilespmem:$0x1F200] =	vst v63  }
0x75: {  	s6 =	sadd.s32 $0x40, s5  }
0x76: {  	[tilespmem:s21], [sflag:$0x2] =	stream.indirect.gather [hbm4b:s1+s20], $0x80, s6, s20, $0xb8;
	[tilespmem:$0x1F200] =	vst v63  }
0x77: {  	s17 =	rddreg [dreg:$0x4];
	s6 =	simm.s32 @p1 $0x2880  }
0x78: {  	[tilespmem:s6], [sflag:$0xB] =	stream.linear.gather @p1 [hbm4b:s17+s8], $0x40, $0x38;
	[tilespmem:$0x1F200] =	vst v63  }
0x79: {  	s6 =	simm.s32 @p1 $0x80;
	s8 =	simm.s32 @p1 $0x6A00;
	s17 =	simm.s32 @!p1 $0x7  }
0x7a: {  	[tilespmem:s8], [sflag:$0x3] =	stream.indirect.gather @p1 [hbm4b:s1+s14], $0x80, s6, s14, $0xb8;
	[tilespmem:$0x1F200] =	vst v63  }
0x7b: {  	_ =	swait.ge @!p1 [sflag:s17], $0x2000  }
0x7c: {  	[sflag:s17] =	ssyncset.done @!p1 $0x0  }
0x7d: {  	s12 =	sadd.s32 $0x20, s12;
	s6 =	simm.s32 @!p1 $0x2880;
	[sflag:s17] =	ssyncadd.s32 @!p1 $0xFFFFE000  }
0x7e: {  	[tilespmem:s6], [sflag:$0xB] =	stream.linear.gather @!p1 [hbm4b:s12+s13], $0x40, $0x38;
	[tilespmem:$0x1F200] =	vst v63  }
0x7f: {  	s15 =	sadd.s32 @!p1 $0x80, s15;
	s8 =	simm.s32 @!p1 $0x8;
	s6 =	simm.s32 @!p1 $0x6A00  }
0x80: {  	[tilespmem:s6], [sflag:$0x3] =	stream.indirect.gather @!p1 [hbm4b:s1+s16], $0x80, s15, s16, $0xb8;
	[tilespmem:$0x1F200] =	vst v63  }
0x81: {  	_ =	swait.ge @!p1 [sflag:s8], $0x2000  }
0x82: {  	[sflag:s8] =	ssyncset.done @!p1 $0x0  }
0x83: {  	[sflag:s8] =	ssyncadd.s32 @!p1 $0xFFFFE000  }
0x84: {  	[tilespmem:s22], [sflag:$0xC] =	stream.linear.gather [hbm4b:s11+s4], $0x40, $0x38;
	[tilespmem:$0x1F200] =	vst v63  }
0x85: {  	s5 =	sadd.s32 $0xC0, s5  }
0x86: {  	[tilespmem:s23], [sflag:$0x4] =	stream.indirect.gather [hbm4b:s1+s20], $0x80, s5, s20, $0xb8;
	[tilespmem:$0x1F200] =	vst v63  }
0x87: {  	_ =	swait.ge [sflag:s24], $0x40  }
0x88: {  	[sflag:s24] =	ssyncset.done $0x0  }
0x89: {  	[sflag:s24] =	ssyncadd.s32 $0xFFFFFFC0  }
0x8a: {  	_ =	swait.ge [sflag:s18], $0x2000  }
0x8b: {  	s14 =	rddreg [dreg:$0x5];
	[sflag:s18] =	ssyncset.done $0x0  }
0x8c: {  	s15 =	rddreg [dreg:$0x6];
	[sflag:s18] =	ssyncadd.s32 $0xFFFFE000  }
0x8d: {  	[spmem:s3] =	stream.indirect.scatter.add.f32 [tilespmem:s15], [sflag:$0x5], $0x80, s14, s20, $0xb8;
	[tilespmem:$0x1F200] =	vst v63  }
0x8e: {  	_ =	swait.ge [sflag:s25], $0x40  }
0x8f: {  	[sflag:s25] =	ssyncset.done $0x0  }
0x90: {  	[sflag:s25] =	ssyncadd.s32 $0xFFFFFFC0  }
0x91: {  	_ =	swait.ge [sflag:s26], $0x2000  }
0x92: {  	[sflag:s26] =	ssyncset.done $0x0  }
0x93: {  	[sflag:s26] =	ssyncadd.s32 $0xFFFFE000  }
0x94: {  	[spmem:s3] =	stream.indirect.scatter.add.f32 [tilespmem:s21], [sflag:$0x6], $0x80, s19, s20, $0xb8;
	[tilespmem:$0x1F200] =	vst v63  }
0x95: {  	_ =	swait.ge [sflag:s28], $0x40  }
0x96: {  	[sflag:s28] =	ssyncset.done $0x0  }
0x97: {  	[sflag:s28] =	ssyncadd.s32 $0xFFFFFFC0  }
0x98: {  	_ =	swait.ge [sflag:s29], $0x2000  }
0x99: {  	s10 =	sadd.s32 $0x400, s10;
	[sflag:s29] =	ssyncset.done $0x0;
	s16 =	rddreg [dreg:$0x7]  }
0x9a: {  	p0 =	sne.s32 s10, $0x9C00;
	s17 =	rddreg [dreg:$0x8];
	[sflag:s29] =	ssyncadd.s32 $0xFFFFE000  }
0x9b: {  	[spmem:s3] =	stream.indirect.scatter.add.f32 [tilespmem:s17], [sflag:$0x7], $0x80, s16, s20, $0xb8;
	[tilespmem:$0x1F200] =	vst v63  }
.Ltmp0:
0x9c: {  	_ = 	snop;
	(pc) =	sbr.rel @p0 .LBB2_2-.Ltmp0, $4  }
0x9d: {  	_ =	swait.ge [sflag:s30], $0x40  }
0x9e: {  	[sflag:s30] =	ssyncset.done $0x0  }
0x9f: {  	s0 =	sadd.s32 $0x20, s0;
	[sflag:s30] =	ssyncadd.s32 $0xFFFFFFC0  }
0xa0: {  	s2 =	sadd.s32 $0x20, s2;
	s11 =	sadd.s32 $0x20, s11;
	_ =	swait.ge [sflag:s31], $0x2000  }
0xa1: {  	[sflag:s31] =	ssyncset.done $0x0  }
0xa2: {  	s0 =	simm.s32 $0x5;
	[sflag:s31] =	ssyncadd.s32 $0xFFFFE000  }
0xa3: {  	[spmem:s3] =	stream.indirect.scatter.add.f32 [tilespmem:s23], [sflag:$0x8], $0x80, s22, s20, $0xb8;
	[tilespmem:$0x1F200] =	vst v63  }
0xa4: {  	_ =	swait.ge [sflag:s0], $0x2000  }
0xa5: {  	[sflag:s0] =	ssyncset.done $0x0  }
0xa6: {  	s11 =	simm.s32 $0x6;
	[sflag:s0] =	ssyncadd.s32 $0xFFFFE000  }
0xa7: {  	_ =	swait.ge [sflag:s11], $0x2000  }
0xa8: {  	[sflag:s11] =	ssyncset.done $0x0  }
0xa9: {  	s12 =	simm.s32 $0x7;
	[sflag:s11] =	ssyncadd.s32 $0xFFFFE000  }
0xaa: {  	_ =	swait.ge [sflag:s12], $0x2000  }
0xab: {  	[sflag:s12] =	ssyncset.done $0x0  }
0xac: {  	s13 =	simm.s32 $0x8;
	[sflag:s12] =	ssyncadd.s32 $0xFFFFE000  }
0xad: {  	_ =	swait.ge [sflag:s13], $0x2000  }
0xae: {  	s2 =	simm.s32 $0x2980;
	[sflag:s13] =	ssyncset.done $0x0  }
0xaf: {  	s5 =	simm.s32 $0xD;
	s14 =	rddreg [dreg:$0xc];
	[sflag:s13] =	ssyncadd.s32 $0xFFFFE000  }
0xb0: {  	[tilespmem:s2], [sflag:$0xD] =	stream.linear.gather [hbm4b:s14+s4], $0x10, $0x38;
	[tilespmem:$0x1F200] =	vst v63  }
0xb1: {  	_ =	swait.ge [sflag:s5], $0x10  }
0xb2: {  	s15 =	simm.s32 $0x10;
	[sflag:s5] =	ssyncset.done $0x0  }
0xb3: {  	s6 =	simm.s32 $0x2700;
	s8 =	simm.s32 $0xAA00;
	[sflag:s5] =	ssyncadd.s32 $0xFFFFFFF0  }
0xb4: {  	[tilespmem:s8], [sflag:$0x1] =	stream.indirect.gather [hbm4b:s1+s15], $0x80, s6, s15, $0xb8;
	[tilespmem:$0x1F200] =	vst v63  }
0xb5: {  	_ =	swait.ge [sflag:s18], $0x800  }
0xb6: {  	[sflag:s18] =	ssyncset.done $0x0  }
0xb7: {  	[sflag:s18] =	ssyncadd.s32 $0xFFFFF800  }
0xb8: {  	[spmem:s3] =	stream.indirect.scatter.add.f32 [tilespmem:s8], [sflag:$0xD], $0x80, s2, s15, $0xb8;
	[tilespmem:$0x1F200] =	vst v63  }
0xb9: {  	_ =	swait.ge [sflag:s5], $0x800  }
0xba: {  	[sflag:s5] =	ssyncset.done $0x0  }
0xbb: {  	[sflag:s5] =	ssyncadd.s32 $0xFFFFF800  }
0xbc: {  	[bflag:$0x0] =	sbarrier.arrive $0xFFFF  }
0xbd: {  	s8 =	rddreg [dreg:$0xb]  }
0xbe: {  	s16 =	rddreg [dreg:$0xd]  }
0xbf: {  	s2 =	rddreg [dreg:$0x13]  }
0xc0: {  	[hbm:s16], [sflag:s8] =	dma.local [spmem:s2], $0x2800  }
0xc1: {  	_ =	swait.ge [sflag:s5], $0x2800  }
0xc2: {  	s9 =	sadd.s32 $0x1, s9;
	s17 =	rddreg [dreg:$0xe]  }
0xc3: {  	p0 =	sne.s32 s9, s17  }
.Ltmp1:
0xc4: {  	_ = 	snop;
	(pc) =	sbr.rel @p0 .LBB2_1-.Ltmp1, $3  }
0xc5: {  	_ =	sdelay $0x1  }
0xc6: {  	[sflag:s5] =	ssyncset.done $0x0  }
0xc7: {  	[sflag:s5] =	ssyncadd.s32 $0xFFFFD800  }
0xc8: {  	_ =	sfence.sel $0x180000  }
0xc9: {  	[bflag:$0x0] =	sbarrier.arrive $0xFFFF  }
0xca: {  	_ =	strace $0x9000004D  }
0xcb: {  	s0 =	stileid.u32;
	[bflag:$0x2] =	sbarrier.arrive $0xFFFF  }
0xcc: {  	p0 =	sne.s32 s0, $0x0;
	s0 =	rddreg [dreg:$0x3]  }
0xcd: {  	s0 =	sadd.s32 @!p0 $0x100000, s0  }
0xce: {  	[sflag:s0] =	ssyncadd.tile.s32 @!p0 $0x1;
	_ =	shalt  }
.Lfunc_end2:
_tile_overlayer_lowered:
.L_overlay_start_2:
0xcf: {  	(tag) =	ssettag $0x2  }
0xd0: {  	s0 =	rddreg [dreg:$0x0];
	s2 =	stileid.u32  }
0xd1: {  	s1 =	rddreg [dreg:$0x1];
	p0 =	sne.s32 s2, $0x0  }
0xd2: {  	s3 =	rddreg [dreg:$0x2];
	[bflag:$0x3] =	sbarrier.arrive $0xFFFF;
	s2 =	simm.s32 @!p0 $0x1C0D  }
0xd3: {  	[timem:s3], [sflag:s2] =	dma.local @!p0 [hbm:s0], s1  }
0xd4: {  	s0 =	simm.s32 @!p0 $0xD  }
0xd5: {  	_ =	swait.ge @!p0 [sflag:s0], s1  }
0xd6: {  	s1 =	ssub.s32 @!p0 $0x0, s1;
	[sflag:s0] =	ssyncset.done @!p0 $0x0  }
0xd7: {  	[sflag:s0] =	ssyncadd.s32 @!p0 s1  }
0xd8: {  	[bflag:$0x3] =	sbarrier.arrive $0xFFFF  }
0xd9: {  	_ =	shalt  }

// kernel: kernel.8.cloned.1.call-start
scs
__scs_entry_jumppad:
0x0: {  	(pc) =	sbr.rel $0x88, $3  }
0x1: {  	(tag) =	ssettag $0x0;
	lr =	simm.s32 $0x1  }
0x2: {  	[smem:$0x3F9B] =	sst lr;
	_ =	strace $0xD0000000  }
0x3: {  	_ = 	snop  }
0x4: {  	_ = 	snop  }
0x5: {  	_ = 	snop  }
0x6: {  	_ = 	snop  }
0x7: {  	_ = 	snop  }
__scs_overlays_trampoline_lowered:
0x8: {  	[smem:$0x3FAA] =	sst s0  }
0x9: {  	[smem:$0x3FAB] =	sst s1  }
0xa: {  	[smem:$0x3FAC] =	sst s2  }
0xb: {  	[smem:$0x3FAD] =	sst s3  }
0xc: {  	[smem:$0x3FAE] =	sst s4  }
0xd: {  	[smem:$0x3FAF] =	sst s5  }
0xe: {  	[smem:$0x3FB0] =	sst s6  }
0xf: {  	[smem:$0x3FB1] =	sst s7  }
0x10: {  	[smem:$0x3FB2] =	sst s8  }
0x11: {  	[smem:$0x3FB3] =	sst s9;
	s0 =	simm.s32 @!p0 $0x0  }
0x12: {  	s1 =	sld [smem:$0x3F99];
	s0 =	simm.s32 @p0 $0x1  }
0x13: {  	[smem:$0x3FB4] =	sst s0;
	s0 =	simm.s32 @!p1 $0x0  }
0x14: {  	s2 =	sld [smem:$0x3F98];
	s0 =	simm.s32 @p1 $0x1  }
0x15: {  	[smem:$0x3FB5] =	sst s0;
	s0 =	simm.s32 @!p2 $0x0  }
0x16: {  	s3 =	sld [smem:$0x3FDB];
	s0 =	simm.s32 @p2 $0x1  }
0x17: {  	s4 =	simm.s32 $0x1BF5;
	[smem:$0x3FB7] =	sst s0  }
0x18: {  	s0 =	sld [smem:$0x3F9A];
	_ =	swait.ge [sflag:s4], $0x0  }
0x19: {  	s7 =	sld [smem:$0x3F9B]  }
0x1a: {  	s8 =	sadd.s32 $0xFFFFE003, lr  }
0x1b: {  	s9 =	sadd.s32 $0xFFFFFEF7, lr;
	s5 =	simm.s32 $0xFFFFFFFF;
	p2 =	slt.u32 s8, $0xFFFFF086  }
0x1c: {  	p1 =	slt.u32 s9, $0xF7A;
	s5 =	simm.s32 @!p2 $0x0  }
0x1d: {  	s5 =	simm.s32 @p1 $0x1;
	p0 =	seq.s32 s7, s2  }
0x1e: {  	s7 =	smul.u32 @!p0 $0xF7A, s2;
	p2 =	seq.s32 @!p0 s5, $0x0  }
0x1f: {  	s9 =	smul.u32 $0xF7A, s1;
	s8 =	simm.s32 @!p0 $0x1BF5;
	p2 =	por !p2, p0  }
0x20: {  	[sflag:s8] =	ssyncset.s32 @!p0 $0xFFFFF086;
	s6 =	sadd.s32 @!p0 s3, s7;
	s7 =	simm.s32 @!p0 $0x108  }
0x21: {  	s3 =	sadd.s32 s3, s9;
	s6 =	sadd.s32 @!p0 $0x88, s6;
	s7 =	simm.s32 @p2 $0x1082  }
0x22: {  	[simem:s7], [sflag:s8] =	dma.local @!p0 [hbm:s6], $0xF7A  }
0x23: {  	s9 =	sor.u32 $0xD0000000, s2;
	s6 =	simm.s32 $0x108;
	_ =	swait.ge @!p0 [sflag:s8], $0x0  }
0x24: {  	s3 =	sadd.s32 $0x88, s3;
	s6 =	simm.s32 @!p1 $0x1082;
	[sflag:s4] =	ssyncset.s32 $0xFFFFF086  }
0x25: {  	[simem:s6], [sflag:s4] =	dma.local [hbm:s3], $0xF7A  }
0x26: {  	[smem:$0x3F9B] =	sst s1;
	(tag) =	ssettag s2;
	_ =	strace s9  }
0x27: {  	s1 =	sld [smem:$0x3FAB]  }
0x28: {  	s2 =	sld [smem:$0x3FAC]  }
0x29: {  	s4 =	sld [smem:$0x3FAE]  }
0x2a: {  	p0 =	seq.s32 s5, $0x0;
	s5 =	sld [smem:$0x3FAF]  }
0x2b: {  	s6 =	sld [smem:$0x3FB0]  }
0x2c: {  	s7 =	sld [smem:$0x3FB1]  }
0x2d: {  	s3 =	simm.s32 $0x108;
	s8 =	sld [smem:$0x3FB2]  }
0x2e: {  	s3 =	simm.s32 @!p0 $0x1082;
	s9 =	sld [smem:$0x3FB3]  }
0x2f: {  	lr =	sadd.s32 s0, s3;
	s0 =	sld [smem:$0x3FAA]  }
0x30: {  	s3 =	sld [smem:$0x3FAD]  }
0x31: {  	[smem:$0x3FB6] =	sst s10  }
0x32: {  	s10 =	sld [smem:$0x3FB4];
	_ =	sdelay $0x3  }
0x33: {  	p0 =	seq.s32 s10, $0x1;
	s10 =	sld [smem:$0x3FB6];
	_ =	sdelay $0x3  }
0x34: {  	[smem:$0x3FB6] =	sst s10  }
0x35: {  	s10 =	sld [smem:$0x3FB5];
	_ =	sdelay $0x3  }
0x36: {  	p1 =	seq.s32 s10, $0x1;
	s10 =	sld [smem:$0x3FB6];
	_ =	sdelay $0x3  }
0x37: {  	[smem:$0x3FB6] =	sst s10  }
0x38: {  	s10 =	sld [smem:$0x3FB7]  }
0x39: {  	_ = 	snop;
	(pc) =	sbr.ind lr, $3  }
0x3a: {  	_ = 	snop  }
0x3b: {  	_ = 	snop  }
0x3c: {  	p2 =	seq.s32 s10, $0x1;
	s10 =	sld [smem:$0x3FB6]  }
0x3d: {  	_ =	shalt  }
0x3e: {  	_ =	shalt  }
0x3f: {  	_ =	shalt  }
0x40: {  	_ =	shalt  }
0x41: {  	_ =	shalt  }
0x42: {  	_ =	shalt  }
0x43: {  	_ =	shalt  }
0x44: {  	_ =	shalt  }
0x45: {  	_ =	shalt  }
0x46: {  	_ =	shalt  }
0x47: {  	_ =	shalt  }
0x48: {  	_ =	shalt  }
0x49: {  	_ =	shalt  }
0x4a: {  	_ =	shalt  }
0x4b: {  	_ =	shalt  }
0x4c: {  	_ =	shalt  }
0x4d: {  	_ =	shalt  }
0x4e: {  	_ =	shalt  }
0x4f: {  	_ =	shalt  }
0x50: {  	_ =	shalt  }
0x51: {  	_ =	shalt  }
0x52: {  	_ =	shalt  }
0x53: {  	_ =	shalt  }
0x54: {  	_ =	shalt  }
0x55: {  	_ =	shalt  }
0x56: {  	_ =	shalt  }
0x57: {  	_ =	shalt  }
0x58: {  	_ =	shalt  }
0x59: {  	_ =	shalt  }
0x5a: {  	_ =	shalt  }
0x5b: {  	_ =	shalt  }
0x5c: {  	_ =	shalt  }
0x5d: {  	_ =	shalt  }
0x5e: {  	_ =	shalt  }
0x5f: {  	_ =	shalt  }
0x60: {  	_ =	shalt  }
0x61: {  	_ =	shalt  }
0x62: {  	_ =	shalt  }
0x63: {  	_ =	shalt  }
0x64: {  	_ =	shalt  }
0x65: {  	_ =	shalt  }
0x66: {  	_ =	shalt  }
0x67: {  	_ =	shalt  }
0x68: {  	_ =	shalt  }
0x69: {  	_ =	shalt  }
0x6a: {  	_ =	shalt  }
0x6b: {  	_ =	shalt  }
0x6c: {  	_ =	shalt  }
0x6d: {  	_ =	shalt  }
0x6e: {  	_ =	shalt  }
0x6f: {  	_ =	shalt  }
0x70: {  	_ =	shalt  }
0x71: {  	_ =	shalt  }
0x72: {  	_ =	shalt  }
0x73: {  	_ =	shalt  }
0x74: {  	_ =	shalt  }
0x75: {  	_ =	shalt  }
0x76: {  	_ =	shalt  }
0x77: {  	_ =	shalt  }
0x78: {  	_ =	shalt  }
0x79: {  	_ =	shalt  }
0x7a: {  	_ =	shalt  }
0x7b: {  	_ =	shalt  }
0x7c: {  	_ =	shalt  }
0x7d: {  	_ =	shalt  }
0x7e: {  	_ =	shalt  }
0x7f: {  	_ =	shalt  }
0x80: {  	_ =	shalt  }
0x81: {  	_ =	shalt  }
0x82: {  	_ =	shalt  }
0x83: {  	_ =	shalt  }
0x84: {  	_ =	shalt  }
0x85: {  	_ =	shalt  }
0x86: {  	_ =	shalt  }
0x87: {  	_ =	shalt  }
.Lfunc_end0:
.L_simem_size_0:
called_computation_lowered:
.L_overlay_start_0:
0x88: {  	s2 =	sld [smem:$0x3FD9]  }
0x89: {  	s3 =	sld [smem:$0x3FFE];
	_ =	sdelay $0x1  }
0x8a: {  	s1 =	srdreg.scid  }
0x8b: {  	s0 =	sand.u32 $0x1, s1  }
0x8c: {  	s17 =	sshll.u32 s0, $0xA;
	s2 =	sadd.s32 s3, s2  }
0x8d: {  	s2 =	sadd.s32 s2, s17  }
0x8e: {  	[smem:$0x3FC2] =	sst s2  }
0x8f: {  	_ = 	snop  }
0x90: {  	s2 =	sld [smem:$0x3FD0];
	(tm) =	ssettm $0x1  }
0x91: {  	s18 =	sld [smem:$0x3FFB];
	_ =	sdelay $0x3  }
0x92: {  	_ =	strace s18  }
0x93: {  	s3 =	sld [smem:$0x3FFC];
	_ =	sdelay $0x3  }
0x94: {  	_ =	strace s3  }
0x95: {  	s3 =	sld [smem:$0x3FFD];
	_ =	sdelay $0x3  }
0x96: {  	_ =	strace s3  }
0x97: {  	_ =	strace $0x8FFFFFFF  }
0x98: {  	s19 =	sld [smem:$0x3FDB];
	_ =	sdelay $0x1  }
0x99: {  	s4 =	simm.s32 $_scs_section_size  }
0x9a: {  	s5 =	simm.s32 $_size__tile_overlayer_lowered;
	s6 =	simm.s32 $_tile_overlayer_lowered  }
0x9b: {  	s22 =	simm.s32 $0x1BFF;
	s21 =	sshll.u32 s6, $0x1;
	s3 =	sadd.s32 s4, s19  }
0x9c: {  	s7 =	simm.s32 $0x0;
	s20 =	sshll.u32 s5, $0x1;
	s5 =	sadd.s32 s21, s3  }
0x9d: {  	[timem:s7], [sflag:s22] =	dma.local [hbm:s5], s20  }
0x9e: {  	_ =	swait.ge [sflag:s22], s20  }
0x9f: {  	s4 =	ssub.s32 $0x0, s20;
	[sflag:s22] =	ssyncset.done $0x0  }
0xa0: {  	[sflag:s22] =	ssyncadd.s32 s4;
	_ =	sdelay $0x1  }
0xa1: {  	s23 =	simm.s32 $0x1B8B  }
0xa2: {  	_ =	swait.ge [sflag:s23], $0x1  }
0xa3: {  	[sflag:s23] =	ssyncset.done $0x0  }
0xa4: {  	s25 =	simm.s32 $0x1B8E;
	s24 =	sld [smem:$0x3FFE];
	[sflag:s23] =	ssyncadd.s32 $0xFFFFFFFF  }
0xa5: {  	s26 =	simm.s32 $execute0_lowered;
	[smem:$0x3FD2] =	sst s25  }
0xa6: {  	s5 =	sshll.u32 s26, $0x1;
	_ =	strace $0x80000046;
	[dreg:$0x1] =	wrdreg $0xFFFFFFFF  }
0xa7: {  	s28 =	simm.s32 $_size_execute0_lowered;
	s3 =	sadd.s32 s3, s5;
	[dreg:$0x0] =	wrdreg $0x0  }
0xa8: {  	s5 =	sshll.u32 s28, $0x1;
	[dreg:$0x2] =	wrdreg s3  }
0xa9: {  	[dreg:$0x3] =	wrdreg s5  }
0xaa: {  	[dreg:$0x4] =	wrdreg $0xC0  }
0xab: {  	_ =	task [dreg:s7], $0x5FFFF  }
0xac: {  	[dreg:$0x1] =	wrdreg $0xFFFFFFFF  }
0xad: {  	[dreg:$0x0] =	wrdreg $0x60  }
0xae: {  	[dreg:$0x2] =	wrdreg s24  }
0xaf: {  	[dreg:$0x3] =	wrdreg s2  }
0xb0: {  	[dreg:$0x4] =	wrdreg $0x2000  }
0xb1: {  	[dreg:$0x5] =	wrdreg $0x9  }
0xb2: {  	_ =	task.clear_ibuf [dreg:s7], $0x6FFFF;
	_ =	strace $0x90000046  }
0xb3: {  	s29 =	simm.s32 $0x9;
	_ =	strace $0x80000048  }
0xb4: {  	_ =	swait.ge [sflag:s29], $0x1  }
0xb5: {  	[sflag:s29] =	ssyncadd.s32 $0xFFFFFFFF  }
0xb6: {  	_ =	strace $0x90000048  }
0xb7: {  	_ =	sfence  }
0xb8: {  	s30 =	sld [smem:$0x0];
	_ =	sdelay $0x2  }
0xb9: {  	s31 =	sshll.u32 s1, $0xD;
	s1 =	sshrl.u32 s1, $0x2  }
0xba: {  	s3 =	sand.u32 $0x4000, s31;
	s1 =	sadd.s32 s1, s30  }
0xbb: {  	s0 =	sor.u32 s3, s0;
	s1 =	sshll.u32 s1, $0x11  }
0xbc: {  	s0 =	sor.u32 s1, s0  }
0xbd: {  	s0 =	sadd.s32 $0x8F2B, s0  }
0xbe: {  	[sflag:s0] =	ssyncadd.remote.s32 $0x1  }
0xbf: {  	_ =	sfence.sel $0xFFFF  }
0xc0: {  	[dreg:$0x0] =	wrdreg $0xFFFFFFFF;
	(pc) =	sbr.abs _section_cstart, $3  }
0xc1: {  	[dreg:$0x1] =	wrdreg $0xFFFFFFFF  }
0xc2: {  	_ =	task.clear_ibuf [dreg:s7], $0x2FFFF;
	_ =	strace $0x9FFFFFFF  }
0xc3: {  	(tm) =	ssettm $0x7FFFFFFF  }
tec
execute0_lowered:
.L_overlay_start_1:
0x0: {  	(tag) =	ssettag $0x1  }
0x1: {  	s5 =	rddreg [dreg:$0x0]  }
0x2: {  	s9 =	rddreg [dreg:$0x1]  }
0x3: {  	s2 =	rddreg [dreg:$0x2]  }
0x4: {  	s0 =	rddreg [dreg:$0x3]  }
0x5: {  	s4 =	srdreg.scid;
	s3 =	simm.s32 $0x0;
	s1 =	stileid.u32  }
0x6: {  	s15 =	simm.s32 $0x5;
	s18 =	simm.s32 $0x80;
	s19 =	simm.s32 $0x1  }
0x7: {  	s20 =	simm.s32 $0x2;
	s21 =	simm.s32 $0x3;
	s22 =	simm.s32 $0x4  }
0x8: {  	s23 =	simm.s32 $0x100;
	s24 =	simm.s32 $0x10;
	s25 =	simm.s32 $0x0  }
0x9: {  	s6 =	sand.u32 $0x1, s4;
	[smem:$0x7FF] =	sst s3;
	s7 =	smul.u32 $0x280, s1  }
0xa: {  	s29 =	smul.u32 $0x2710, s1;
	s16 =	sshll.u32 s1, $0x6;
	s4 =	sshll.u32 s6, $0x4  }
0xb: {  	_ =	strace $0x80000047;
	s11 =	ssub.s32 $0x2, s6;
	s12 =	smul.u32 $0x2800, s6  }
0xc: {  	s14 =	smul.u32 $0x27100, s6;
	s16 =	sor.u32 $0x1C05, s16;
	s8 =	sor.u32 s1, s4  }
0xd: {  	s4 =	sadd.s32 $0xC000, s5;
	s10 =	sshrl.u32 s7, $0x3;
	s13 =	sshrl.u32 s11, $0x1  }
0xe: {  	s17 =	sadd.s32 s7, s2;
	s8 =	smul.u32 $0x2710, s8;
	s10 =	sadd.s32 s10, s5  }
0xf: {  	s5 =	sadd.s32 $0x15E00, s5;
	s11 =	ssub.s32 s11, s13;
	s30 =	sadd.s32 s7, s12  }
0x10: {  	s13 =	sadd.s32 s29, s14;
	s14 =	simm.s32 $0x180;
	s17 =	sshrl.u32 s17, $0x3  }
0x11: {  	s6 =	sadd.s32 $0x16000, s10;
	s10 =	sshrl.u32 s30, $0x3;
	s31 =	sadd.s32 $0x180, s13  }
0x12: {  	s13 =	sadd.s32 $0x100, s13;
	s8 =	sshrl.u32 s8, $0x3;
	s9 =	sadd.s32 s9, s10  }
0x13: {  	s10 =	smax.u32 s11, $0x1;
	s12 =	sshrl.u32 s31, $0x3;
	s7 =	sadd.s32 s4, s8  }
0x14: {  	s12 =	sadd.s32 s12, s4;
	s8 =	sadd.s32 $0x4E0, s7;
	s11 =	sadd.s32 $0x10, s7  }
.LBB2_1:
0x15: {  	[tilespmem:s14], [sflag:$0x5] =	stream.linear.gather [hbm4b:s5+s3], $0x80, $0x38;
	[tilespmem:$0x480] =	vst v63  }
0x16: {  	_ =	swait.ge [sflag:s15], $0x80  }
0x17: {  	[sflag:s15] =	ssyncset.done $0x0  }
0x18: {  	[sflag:s15] =	ssyncadd.s32 $0xFFFFFF80  }
0x19: {  	[spmem:s17], [sflag:s16] =	dma.local [hbm:s6], $0x50  }
0x1a: {  	_ =	swait.ge [sflag:s15], $0x50  }
0x1b: {  	[sflag:s15] =	ssyncset.done $0x0  }
0x1c: {  	[sflag:s15] =	ssyncadd.s32 $0xFFFFFFB0  }
0x1d: {  	[bflag:$0x0] =	sbarrier.arrive $0xFFFF  }
0x1e: {  	[tilespmem:s3], [sflag:$0x1] =	stream.linear.gather [hbm4b:s7+s3], $0x80, $0x38;
	[tilespmem:$0x480] =	vst v63  }
0x1f: {  	_ = 	snop  }
0x20: {  	[tilespmem:s18], [sflag:$0x2] =	stream.linear.gather [hbm4b:s11+s3], $0x80, $0x38;
	[tilespmem:$0x480] =	vst v63  }
0x21: {  	_ =	swait.ge [sflag:s19], $0x80  }
0x22: {  	[sflag:s19] =	ssyncset.done $0x0  }
0x23: {  	[sflag:s19] =	ssyncadd.s32 $0xFFFFFF80  }
0x24: {  	[spmem:s2] =	stream.indirect.scatter.add.f32 [tilespmem:s14], [sflag:$0x3], $0x1, s3, s18, $0xb8;
	[tilespmem:$0x480] =	vst v63  }
0x25: {  	_ =	swait.ge [sflag:s20], $0x80  }
0x26: {  	[sflag:s20] =	ssyncset.done $0x0  }
0x27: {  	[sflag:s20] =	ssyncadd.s32 $0xFFFFFF80  }
0x28: {  	[spmem:s2] =	stream.indirect.scatter.add.f32 [tilespmem:s14], [sflag:$0x4], $0x1, s18, s18, $0xb8;
	[tilespmem:$0x480] =	vst v63  }
0x29: {  	_ =	swait.ge [sflag:s21], $0x80  }
0x2a: {  	s26 =	sshrl.u32 s13, $0x3;
	[sflag:s21] =	ssyncset.done $0x0  }
0x2b: {  	s26 =	sadd.s32 s4, s26;
	[sflag:s21] =	ssyncadd.s32 $0xFFFFFF80  }
0x2c: {  	[tilespmem:s3], [sflag:$0x1] =	stream.linear.gather [hbm4b:s26+s3], $0x80, $0x38;
	[tilespmem:$0x480] =	vst v63  }
0x2d: {  	_ =	swait.ge [sflag:s22], $0x80  }
0x2e: {  	[sflag:s22] =	ssyncset.done $0x0  }
0x2f: {  	s31 =	sadd.s32 $0x0, s12;
	[sflag:s22] =	ssyncadd.s32 $0xFFFFFF80  }
0x30: {  	[tilespmem:s18], [sflag:$0x2] =	stream.linear.gather [hbm4b:s31+s3], $0x80, $0x38;
	[tilespmem:$0x480] =	vst v63  }
0x31: {  	_ =	swait.ge [sflag:s19], $0x80  }
0x32: {  	[sflag:s19] =	ssyncset.done $0x0  }
0x33: {  	[sflag:s19] =	ssyncadd.s32 $0xFFFFFF80  }
0x34: {  	[spmem:s2] =	stream.indirect.scatter.add.f32 [tilespmem:s14], [sflag:$0x3], $0x1, s3, s18, $0xb8;
	[tilespmem:$0x480] =	vst v63  }
0x35: {  	_ =	swait.ge [sflag:s20], $0x80  }
0x36: {  	[sflag:s20] =	ssyncset.done $0x0  }
0x37: {  	s28 =	sadd.s32 $0x100, s13;
	s26 =	simm.s32 $0x20;
	[sflag:s20] =	ssyncadd.s32 $0xFFFFFF80  }
.LBB2_2:
0x38: {  	[spmem:s2] =	stream.indirect.scatter.add.f32 [tilespmem:s14], [sflag:$0x4], $0x1, s18, s18, $0xb8;
	[tilespmem:$0x480] =	vst v63  }
0x39: {  	s29 =	smov.u32 s26  }
0x3a: {  	p0 =	sne.s32 s26, $0x4A0;
	s26 =	sadd.s32 $0x20, s26;
	_ =	swait.ge [sflag:s21], $0x80  }
0x3b: {  	s30 =	sshrl.u32 s28, $0x3;
	[sflag:s21] =	ssyncset.done $0x0  }
0x3c: {  	s30 =	sadd.s32 s4, s30;
	[sflag:s21] =	ssyncadd.s32 $0xFFFFFF80  }
0x3d: {  	[tilespmem:s3], [sflag:$0x1] =	stream.linear.gather [hbm4b:s30+s3], $0x80, $0x38;
	[tilespmem:$0x480] =	vst v63  }
0x3e: {  	_ =	swait.ge [sflag:s22], $0x80  }
0x3f: {  	[sflag:s22] =	ssyncset.done $0x0  }
0x40: {  	s29 =	sadd.s32 s29, s12;
	[sflag:s22] =	ssyncadd.s32 $0xFFFFFF80  }
0x41: {  	[tilespmem:s18], [sflag:$0x2] =	stream.linear.gather [hbm4b:s29+s3], $0x80, $0x38;
	[tilespmem:$0x480] =	vst v63  }
0x42: {  	_ =	swait.ge [sflag:s19], $0x80  }
0x43: {  	[sflag:s19] =	ssyncset.done $0x0  }
.Ltmp0:
0x44: {  	[sflag:s19] =	ssyncadd.s32 $0xFFFFFF80;
	(pc) =	sbr.rel @p0 .LBB2_2-.Ltmp0, $4  }
0x45: {  	[spmem:s2] =	stream.indirect.scatter.add.f32 [tilespmem:s14], [sflag:$0x3], $0x1, s3, s18, $0xb8;
	[tilespmem:$0x480] =	vst v63  }
0x46: {  	_ =	swait.ge [sflag:s20], $0x80  }
0x47: {  	[sflag:s20] =	ssyncset.done $0x0  }
0x48: {  	s28 =	sadd.s32 $0x100, s28;
	[sflag:s20] =	ssyncadd.s32 $0xFFFFFF80  }
0x49: {  	[spmem:s2] =	stream.indirect.scatter.add.f32 [tilespmem:s14], [sflag:$0x4], $0x1, s18, s18, $0xb8;
	[tilespmem:$0x480] =	vst v63  }
0x4a: {  	_ =	swait.ge [sflag:s21], $0x80  }
0x4b: {  	[sflag:s21] =	ssyncset.done $0x0  }
0x4c: {  	[sflag:s21] =	ssyncadd.s32 $0xFFFFFF80  }
0x4d: {  	_ =	swait.ge [sflag:s22], $0x80  }
0x4e: {  	[sflag:s22] =	ssyncset.done $0x0  }
0x4f: {  	[sflag:s22] =	ssyncadd.s32 $0xFFFFFF80  }
0x50: {  	[tilespmem:s23], [sflag:$0x5] =	stream.linear.gather [hbm4b:s8+s3], $0x10, $0x38;
	[tilespmem:$0x480] =	vst v63  }
0x51: {  	_ =	swait.ge [sflag:s15], $0x10  }
0x52: {  	[sflag:s15] =	ssyncset.done $0x0  }
0x53: {  	[sflag:s15] =	ssyncadd.s32 $0xFFFFFFF0  }
0x54: {  	[spmem:s2] =	stream.indirect.scatter.add.f32 [tilespmem:s14], [sflag:$0x5], $0x1, s23, s24, $0xb8;
	[tilespmem:$0x480] =	vst v63  }
0x55: {  	_ =	swait.ge [sflag:s15], $0x10  }
0x56: {  	s25 =	sadd.s32 $0x1, s25;
	[sflag:s15] =	ssyncset.done $0x0  }
0x57: {  	p0 =	sne.s32 s25, s10;
	[sflag:s15] =	ssyncadd.s32 $0xFFFFFFF0  }
.Ltmp1:
0x58: {  	[bflag:$0x0] =	sbarrier.arrive $0xFFFF;
	(pc) =	sbr.rel @p0 .LBB2_1-.Ltmp1, $4  }
0x59: {  	[hbm:s9], [sflag:s16] =	dma.local [spmem:s17], $0x50  }
0x5a: {  	_ =	swait.ge [sflag:s15], $0x50  }
0x5b: {  	[sflag:s15] =	ssyncset.done $0x0  }
0x5c: {  	[sflag:s15] =	ssyncadd.s32 $0xFFFFFFB0  }
0x5d: {  	_ =	sfence.sel $0x180000  }
0x5e: {  	[bflag:$0x0] =	sbarrier.arrive $0xFFFF  }
0x5f: {  	p0 =	sne.s32 s1, $0x0;
	_ =	strace $0x90000047  }
0x60: {  	s0 =	sadd.s32 @!p0 $0x100000, s0;
	[bflag:$0x2] =	sbarrier.arrive $0xFFFF  }
0x61: {  	[sflag:s0] =	ssyncadd.tile.s32 @!p0 $0x1;
	_ =	shalt  }
.Lfunc_end2:
_tile_overlayer_lowered:
.L_overlay_start_2:
0x62: {  	(tag) =	ssettag $0x2  }
0x63: {  	s0 =	rddreg [dreg:$0x0];
	s2 =	stileid.u32  }
0x64: {  	s1 =	rddreg [dreg:$0x1];
	p0 =	sne.s32 s2, $0x0  }
0x65: {  	s3 =	rddreg [dreg:$0x2];
	[bflag:$0x3] =	sbarrier.arrive $0xFFFF;
	s2 =	simm.s32 @!p0 $0x1C05  }
0x66: {  	[timem:s3], [sflag:s2] =	dma.local @!p0 [hbm:s0], s1  }
0x67: {  	s0 =	simm.s32 @!p0 $0x5  }
0x68: {  	_ =	swait.ge @!p0 [sflag:s0], s1  }
0x69: {  	s1 =	ssub.s32 @!p0 $0x0, s1;
	[sflag:s0] =	ssyncset.done @!p0 $0x0  }
0x6a: {  	[sflag:s0] =	ssyncadd.s32 @!p0 s1  }
0x6b: {  	[bflag:$0x3] =	sbarrier.arrive $0xFFFF  }
0x6c: {  	_ =	shalt  }

</sc_bundles>
